<compile_context>
chip_gen: v7x
topology: tpu7x:2x2x1
jax: 0.10.2.dev20260603
libtpu: 0.0.44.dev20260713+nightly
codegen_flags: <defaults>
</compile_context>

<pallas_src>
import functools

import jax
import jax.numpy as jnp
from jax import lax
from jax.experimental import pallas as pl
from jax.experimental.pallas import tpu as pltpu
from jax.experimental.pallas import tpu_sc as plsc

_DIM = 50
_DIMP = 56
_BATCH = 16384
_NC = 2
_NS = 16
_L = 16
_NW = _NC * _NS
_BPW = _BATCH // _NW
_CH = 128
_NCH = _BPW // _CH

_mesh = plsc.VectorSubcoreMesh(core_axis_name="c", subcore_axis_name="s")


@functools.partial(
    pl.kernel,
    out_type=jax.ShapeDtypeStruct((_BATCH,), jnp.float32),
    mesh=_mesh,
    scratch_types=[
        pltpu.VMEM((_BPW,), jnp.int32),
        pltpu.VMEM((_BPW,), jnp.int32),
        pltpu.VMEM((_BPW, _DIMP), jnp.float32),
        pltpu.VMEM((_BPW, _DIMP), jnp.float32),
        pltpu.VMEM((_BPW,), jnp.float32),
        pltpu.SemaphoreType.DMA,
    ],
    compiler_params=pltpu.CompilerParams(
        use_tc_tiling_on_sc=False, needs_layout_passes=False),
)
def _sc_dot(iw_hbm, ic_hbm, words_hbm, ctx_hbm, out_hbm,
            iw_v, ic_v, wrows, crows, outv, sem):
    wid = lax.axis_index("s") * _NC + lax.axis_index("c")
    base = wid * _BPW

    pltpu.sync_copy(iw_hbm.at[pl.ds(base, _BPW)], iw_v)
    pltpu.sync_copy(ic_hbm.at[pl.ds(base, _BPW)], ic_v)

    copies = []
    for j in range(_NCH):
        s = pl.ds(j * _CH, _CH)
        copies.append(pltpu.async_copy(words_hbm.at[iw_v.at[s]], wrows.at[s], sem))
        copies.append(pltpu.async_copy(ctx_hbm.at[ic_v.at[s]], crows.at[s], sem))
    for cp in copies:
        cp.wait()

    def group(g, carry):
        rows = g * _L + lax.iota(jnp.int32, _L)
        acc = jnp.zeros((_L,), jnp.float32)
        for d in range(_DIM):
            col = jnp.full((_L,), d, jnp.int32)
            w = plsc.load_gather(wrows, [rows, col])
            c = plsc.load_gather(crows, [rows, col])
            acc = acc + w * c
        outv[pl.ds(g * _L, _L)] = acc
        return carry

    lax.fori_loop(0, _BPW // _L, group, 0)

    pltpu.sync_copy(outv, out_hbm.at[pl.ds(base, _BPW)])


def kernel(i_w, i_c, words, contexts):
    wp = jnp.pad(words, ((0, 0), (0, _DIMP - _DIM)))
    cp = jnp.pad(contexts, ((0, 0), (0, _DIMP - _DIM)))
    out = _sc_dot(i_w.astype(jnp.int32), i_c.astype(jnp.int32), wp, cp)
    return out.reshape(_BATCH, 1, 1)

# --- scband reference (transcript-rebuilt; emitter-appended) ---
"""Pipeline reference for scband-net-6081673691339 (READ-ONLY COPY).

The authoritative reference and input builder live on the scoring server;
editing this copy changes nothing except your own understanding.
"""

import jax, jax.numpy as jnp
import numpy as np

N_ROWS = 3 * 1000 + 1
DIM = 50
BATCH = 16384

def setup_inputs(seed: int = 0) -> dict:
    key = jax.random.key(seed)
    k1, k2, k3, k4 = jax.random.split(key, 4)
    words = jax.random.uniform(k1, (N_ROWS, DIM), minval=-0.1, maxval=0.1, dtype=jnp.float32)
    contexts = jax.random.uniform(k2, (N_ROWS, DIM), minval=-0.1, maxval=0.1, dtype=jnp.float32)
    i_w = jax.random.randint(k3, (BATCH,), 0, N_ROWS, dtype=jnp.int64 if jax.config.jax_enable_x64 else jnp.int32)
    i_c = jax.random.randint(k4, (BATCH,), 0, N_ROWS, dtype=jnp.int64 if jax.config.jax_enable_x64 else jnp.int32)
    return {"i_w": i_w, "i_c": i_c, "words": words, "contexts": contexts}

def reference(i_w, i_c, words, contexts):
    # w = self.words(i_w).view(B, 1, D)
    w = jnp.take(words, i_w, axis=0).reshape(i_w.shape[0], 1, DIM)
    # c = self.contexts(i_c).view(B, D, 1)
    c = jnp.take(contexts, i_c, axis=0).reshape(i_w.shape[0], DIM, 1)
    # x = torch.bmm(w, c) -> [B, 1, 1]
    x = jnp.matmul(w, c)
    return x

if __name__ == "__main__":
    import jax
    _d = setup_inputs()
    print(jax.jit(kernel)(*tuple(_d.values())))

</pallas_src>

<mosaic_0001>
#map = affine_map<(d0, d1) -> (0)>
#map1 = affine_map<(d0, d1) -> (0, 0)>
module attributes {stable_mosaic.version = 14 : i64} {
  func.func @_sc_dot(%arg0: i32, %arg1: i32, %arg2: memref<16384xi32, #tpu.memory_space<hbm>>, %arg3: memref<16384xi32, #tpu.memory_space<hbm>>, %arg4: memref<3001x56xf32, #tpu.memory_space<hbm>>, %arg5: memref<3001x56xf32, #tpu.memory_space<hbm>>, %arg6: memref<16384xf32, #tpu.memory_space<hbm>>, %arg7: memref<512xi32, #tpu.memory_space<vmem>>, %arg8: memref<512xi32, #tpu.memory_space<vmem>>, %arg9: memref<512x56xf32, #tpu.memory_space<vmem>>, %arg10: memref<512x56xf32, #tpu.memory_space<vmem>>, %arg11: memref<512xf32, #tpu.memory_space<vmem>>, %arg12: memref<!tpu.dma_semaphore, #tpu.memory_space<semaphore_mem>>) attributes {dimension_semantics = [#tpu.dimension_semantics<core_parallel>, #tpu.dimension_semantics<subcore_parallel>], iteration_bounds = array<i64: 2, 16>, scalar_prefetch = 0 : i64, scratch_operands = 6 : i64, tpu.core_type = #tpu.core_type<sc_vector_subcore>, window_params = [{transform_indices = #map}, {transform_indices = #map}, {transform_indices = #map1}, {transform_indices = #map1}, {transform_indices = #map}]} {
    %mul3A = arith.constant 2 : i32
    %mul3A_0 = arith.muli %arg1, %mul3A : i32
    %add3A = arith.addi %mul3A_0, %arg0 : i32
    %mul3A_1 = arith.constant 512 : i32
    %mul3A_2 = arith.muli %add3A, %mul3A_1 : i32
    "tpu.region"() ({
      %run_scoped3A = tpu.sem_alloc : memref<!tpu.dma_semaphore, #tpu.memory_space<semaphore_mem>>
      %dma_start3A_134 = tpu.memref_slice %arg2[%mul3A_2] : memref<16384xi32, #tpu.memory_space<hbm>> -> memref<512xi32, #tpu.memory_space<hbm>>
      %dma_start3A_135 = tpu.memref_slice %arg2[%mul3A_2] : memref<16384xi32, #tpu.memory_space<hbm>> -> memref<512xi32, #tpu.memory_space<hbm>>
      tpu.enqueue_dma source(%dma_start3A_135 : memref<512xi32, #tpu.memory_space<hbm>>) target(%arg7 : memref<512xi32, #tpu.memory_space<vmem>>) target_semaphore(%run_scoped3A : memref<!tpu.dma_semaphore, #tpu.memory_space<semaphore_mem>>)
      %dma_wait3A_136 = tpu.memref_slice %arg2[%mul3A_2] : memref<16384xi32, #tpu.memory_space<hbm>> -> memref<512xi32, #tpu.memory_space<hbm>>
      %dma_wait3A_137 = tpu.memref_slice %arg2[%mul3A_2] : memref<16384xi32, #tpu.memory_space<hbm>> -> memref<512xi32, #tpu.memory_space<hbm>>
      tpu.wait_dma2 semaphore(%run_scoped3A : memref<!tpu.dma_semaphore, #tpu.memory_space<semaphore_mem>>) src(%dma_wait3A_137 : memref<512xi32, #tpu.memory_space<hbm>>) dst(%arg7 : memref<512xi32, #tpu.memory_space<vmem>>)
      tpu.yield
    }) : () -> ()
    "tpu.region"() ({
      %run_scoped3A = tpu.sem_alloc : memref<!tpu.dma_semaphore, #tpu.memory_space<semaphore_mem>>
      %dma_start3A_134 = tpu.memref_slice %arg3[%mul3A_2] : memref<16384xi32, #tpu.memory_space<hbm>> -> memref<512xi32, #tpu.memory_space<hbm>>
      %dma_start3A_135 = tpu.memref_slice %arg3[%mul3A_2] : memref<16384xi32, #tpu.memory_space<hbm>> -> memref<512xi32, #tpu.memory_space<hbm>>
      tpu.enqueue_dma source(%dma_start3A_135 : memref<512xi32, #tpu.memory_space<hbm>>) target(%arg8 : memref<512xi32, #tpu.memory_space<vmem>>) target_semaphore(%run_scoped3A : memref<!tpu.dma_semaphore, #tpu.memory_space<semaphore_mem>>)
      %dma_wait3A_136 = tpu.memref_slice %arg3[%mul3A_2] : memref<16384xi32, #tpu.memory_space<hbm>> -> memref<512xi32, #tpu.memory_space<hbm>>
      %dma_wait3A_137 = tpu.memref_slice %arg3[%mul3A_2] : memref<16384xi32, #tpu.memory_space<hbm>> -> memref<512xi32, #tpu.memory_space<hbm>>
      tpu.wait_dma2 semaphore(%run_scoped3A : memref<!tpu.dma_semaphore, #tpu.memory_space<semaphore_mem>>) src(%dma_wait3A_137 : memref<512xi32, #tpu.memory_space<hbm>>) dst(%arg8 : memref<512xi32, #tpu.memory_space<vmem>>)
      tpu.yield
    }) : () -> ()
    %dma_start3A = arith.constant 0 : i32
    %dma_start3A_3 = arith.constant 0 : i32
    %dma_start3A_4 = tpu.memref_slice %arg9[%dma_start3A, %dma_start3A_3] : memref<512x56xf32, #tpu.memory_space<vmem>> -> memref<128x56xf32, #tpu.memory_space<vmem>>
    %dma_start3A_5 = arith.constant 0 : i32
    %dma_start3A_6 = tpu.memref_slice %arg7[%dma_start3A_5] : memref<512xi32, #tpu.memory_space<vmem>> -> memref<128xi32, #tpu.memory_space<vmem>>
    %dma_start3A_7 = arith.constant 0 : i32
    %dma_start3A_8 = arith.constant 0 : i32
    %dma_start3A_9 = tpu.memref_slice %arg4[%dma_start3A_7, %dma_start3A_8] : memref<3001x56xf32, #tpu.memory_space<hbm>> -> memref<3001x56xf32, #tpu.memory_space<hbm>>
    tpu.enqueue_indirect_dma source(%dma_start3A_9 : memref<3001x56xf32, #tpu.memory_space<hbm>>) target(%dma_start3A_4 : memref<128x56xf32, #tpu.memory_space<vmem>>) offsets(%dma_start3A_6 : memref<128xi32, #tpu.memory_space<vmem>>) semaphore(%arg12 : memref<!tpu.dma_semaphore, #tpu.memory_space<semaphore_mem>>)
    %dma_start3A_10 = arith.constant 0 : i32
    %dma_start3A_11 = arith.constant 0 : i32
    %dma_start3A_12 = tpu.memref_slice %arg10[%dma_start3A_10, %dma_start3A_11] : memref<512x56xf32, #tpu.memory_space<vmem>> -> memref<128x56xf32, #tpu.memory_space<vmem>>
    %dma_start3A_13 = arith.constant 0 : i32
    %dma_start3A_14 = tpu.memref_slice %arg8[%dma_start3A_13] : memref<512xi32, #tpu.memory_space<vmem>> -> memref<128xi32, #tpu.memory_space<vmem>>
    %dma_start3A_15 = arith.constant 0 : i32
    %dma_start3A_16 = arith.constant 0 : i32
    %dma_start3A_17 = tpu.memref_slice %arg5[%dma_start3A_15, %dma_start3A_16] : memref<3001x56xf32, #tpu.memory_space<hbm>> -> memref<3001x56xf32, #tpu.memory_space<hbm>>
    tpu.enqueue_indirect_dma source(%dma_start3A_17 : memref<3001x56xf32, #tpu.memory_space<hbm>>) target(%dma_start3A_12 : memref<128x56xf32, #tpu.memory_space<vmem>>) offsets(%dma_start3A_14 : memref<128xi32, #tpu.memory_space<vmem>>) semaphore(%arg12 : memref<!tpu.dma_semaphore, #tpu.memory_space<semaphore_mem>>)
    %dma_start3A_18 = arith.constant 128 : i32
    %dma_start3A_19 = arith.constant 0 : i32
    %dma_start3A_20 = tpu.memref_slice %arg9[%dma_start3A_18, %dma_start3A_19] : memref<512x56xf32, #tpu.memory_space<vmem>> -> memref<128x56xf32, #tpu.memory_space<vmem>>
    %dma_start3A_21 = arith.constant 128 : i32
    %dma_start3A_22 = tpu.memref_slice %arg7[%dma_start3A_21] : memref<512xi32, #tpu.memory_space<vmem>> -> memref<128xi32, #tpu.memory_space<vmem>>
    %dma_start3A_23 = arith.constant 0 : i32
    %dma_start3A_24 = arith.constant 0 : i32
    %dma_start3A_25 = tpu.memref_slice %arg4[%dma_start3A_23, %dma_start3A_24] : memref<3001x56xf32, #tpu.memory_space<hbm>> -> memref<3001x56xf32, #tpu.memory_space<hbm>>
    tpu.enqueue_indirect_dma source(%dma_start3A_25 : memref<3001x56xf32, #tpu.memory_space<hbm>>) target(%dma_start3A_20 : memref<128x56xf32, #tpu.memory_space<vmem>>) offsets(%dma_start3A_22 : memref<128xi32, #tpu.memory_space<vmem>>) semaphore(%arg12 : memref<!tpu.dma_semaphore, #tpu.memory_space<semaphore_mem>>)
    %dma_start3A_26 = arith.constant 128 : i32
    %dma_start3A_27 = arith.constant 0 : i32
    %dma_start3A_28 = tpu.memref_slice %arg10[%dma_start3A_26, %dma_start3A_27] : memref<512x56xf32, #tpu.memory_space<vmem>> -> memref<128x56xf32, #tpu.memory_space<vmem>>
    %dma_start3A_29 = arith.constant 128 : i32
    %dma_start3A_30 = tpu.memref_slice %arg8[%dma_start3A_29] : memref<512xi32, #tpu.memory_space<vmem>> -> memref<128xi32, #tpu.memory_space<vmem>>
    %dma_start3A_31 = arith.constant 0 : i32
    %dma_start3A_32 = arith.constant 0 : i32
    %dma_start3A_33 = tpu.memref_slice %arg5[%dma_start3A_31, %dma_start3A_32] : memref<3001x56xf32, #tpu.memory_space<hbm>> -> memref<3001x56xf32, #tpu.memory_space<hbm>>
    tpu.enqueue_indirect_dma source(%dma_start3A_33 : memref<3001x56xf32, #tpu.memory_space<hbm>>) target(%dma_start3A_28 : memref<128x56xf32, #tpu.memory_space<vmem>>) offsets(%dma_start3A_30 : memref<128xi32, #tpu.memory_space<vmem>>) semaphore(%arg12 : memref<!tpu.dma_semaphore, #tpu.memory_space<semaphore_mem>>)
    %dma_start3A_34 = arith.constant 256 : i32
    %dma_start3A_35 = arith.constant 0 : i32
    %dma_start3A_36 = tpu.memref_slice %arg9[%dma_start3A_34, %dma_start3A_35] : memref<512x56xf32, #tpu.memory_space<vmem>> -> memref<128x56xf32, #tpu.memory_space<vmem>>
    %dma_start3A_37 = arith.constant 256 : i32
    %dma_start3A_38 = tpu.memref_slice %arg7[%dma_start3A_37] : memref<512xi32, #tpu.memory_space<vmem>> -> memref<128xi32, #tpu.memory_space<vmem>>
    %dma_start3A_39 = arith.constant 0 : i32
    %dma_start3A_40 = arith.constant 0 : i32
    %dma_start3A_41 = tpu.memref_slice %arg4[%dma_start3A_39, %dma_start3A_40] : memref<3001x56xf32, #tpu.memory_space<hbm>> -> memref<3001x56xf32, #tpu.memory_space<hbm>>
    tpu.enqueue_indirect_dma source(%dma_start3A_41 : memref<3001x56xf32, #tpu.memory_space<hbm>>) target(%dma_start3A_36 : memref<128x56xf32, #tpu.memory_space<vmem>>) offsets(%dma_start3A_38 : memref<128xi32, #tpu.memory_space<vmem>>) semaphore(%arg12 : memref<!tpu.dma_semaphore, #tpu.memory_space<semaphore_mem>>)
    %dma_start3A_42 = arith.constant 256 : i32
    %dma_start3A_43 = arith.constant 0 : i32
    %dma_start3A_44 = tpu.memref_slice %arg10[%dma_start3A_42, %dma_start3A_43] : memref<512x56xf32, #tpu.memory_space<vmem>> -> memref<128x56xf32, #tpu.memory_space<vmem>>
    %dma_start3A_45 = arith.constant 256 : i32
    %dma_start3A_46 = tpu.memref_slice %arg8[%dma_start3A_45] : memref<512xi32, #tpu.memory_space<vmem>> -> memref<128xi32, #tpu.memory_space<vmem>>
    %dma_start3A_47 = arith.constant 0 : i32
    %dma_start3A_48 = arith.constant 0 : i32
    %dma_start3A_49 = tpu.memref_slice %arg5[%dma_start3A_47, %dma_start3A_48] : memref<3001x56xf32, #tpu.memory_space<hbm>> -> memref<3001x56xf32, #tpu.memory_space<hbm>>
    tpu.enqueue_indirect_dma source(%dma_start3A_49 : memref<3001x56xf32, #tpu.memory_space<hbm>>) target(%dma_start3A_44 : memref<128x56xf32, #tpu.memory_space<vmem>>) offsets(%dma_start3A_46 : memref<128xi32, #tpu.memory_space<vmem>>) semaphore(%arg12 : memref<!tpu.dma_semaphore, #tpu.memory_space<semaphore_mem>>)
    %dma_start3A_50 = arith.constant 384 : i32
    %dma_start3A_51 = arith.constant 0 : i32
    %dma_start3A_52 = tpu.memref_slice %arg9[%dma_start3A_50, %dma_start3A_51] : memref<512x56xf32, #tpu.memory_space<vmem>> -> memref<128x56xf32, #tpu.memory_space<vmem>>
    %dma_start3A_53 = arith.constant 384 : i32
    %dma_start3A_54 = tpu.memref_slice %arg7[%dma_start3A_53] : memref<512xi32, #tpu.memory_space<vmem>> -> memref<128xi32, #tpu.memory_space<vmem>>
    %dma_start3A_55 = arith.constant 0 : i32
    %dma_start3A_56 = arith.constant 0 : i32
    %dma_start3A_57 = tpu.memref_slice %arg4[%dma_start3A_55, %dma_start3A_56] : memref<3001x56xf32, #tpu.memory_space<hbm>> -> memref<3001x56xf32, #tpu.memory_space<hbm>>
    tpu.enqueue_indirect_dma source(%dma_start3A_57 : memref<3001x56xf32, #tpu.memory_space<hbm>>) target(%dma_start3A_52 : memref<128x56xf32, #tpu.memory_space<vmem>>) offsets(%dma_start3A_54 : memref<128xi32, #tpu.memory_space<vmem>>) semaphore(%arg12 : memref<!tpu.dma_semaphore, #tpu.memory_space<semaphore_mem>>)
    %dma_start3A_58 = arith.constant 384 : i32
    %dma_start3A_59 = arith.constant 0 : i32
    %dma_start3A_60 = tpu.memref_slice %arg10[%dma_start3A_58, %dma_start3A_59] : memref<512x56xf32, #tpu.memory_space<vmem>> -> memref<128x56xf32, #tpu.memory_space<vmem>>
    %dma_start3A_61 = arith.constant 384 : i32
    %dma_start3A_62 = tpu.memref_slice %arg8[%dma_start3A_61] : memref<512xi32, #tpu.memory_space<vmem>> -> memref<128xi32, #tpu.memory_space<vmem>>
    %dma_start3A_63 = arith.constant 0 : i32
    %dma_start3A_64 = arith.constant 0 : i32
    %dma_start3A_65 = tpu.memref_slice %arg5[%dma_start3A_63, %dma_start3A_64] : memref<3001x56xf32, #tpu.memory_space<hbm>> -> memref<3001x56xf32, #tpu.memory_space<hbm>>
    tpu.enqueue_indirect_dma source(%dma_start3A_65 : memref<3001x56xf32, #tpu.memory_space<hbm>>) target(%dma_start3A_60 : memref<128x56xf32, #tpu.memory_space<vmem>>) offsets(%dma_start3A_62 : memref<128xi32, #tpu.memory_space<vmem>>) semaphore(%arg12 : memref<!tpu.dma_semaphore, #tpu.memory_space<semaphore_mem>>)
    %dma_wait3A = arith.constant 0 : i32
    %dma_wait3A_66 = arith.constant 0 : i32
    %dma_wait3A_67 = tpu.memref_slice %arg9[%dma_wait3A, %dma_wait3A_66] : memref<512x56xf32, #tpu.memory_space<vmem>> -> memref<128x56xf32, #tpu.memory_space<vmem>>
    %dma_wait3A_68 = arith.constant 0 : i32
    %dma_wait3A_69 = tpu.memref_slice %arg7[%dma_wait3A_68] : memref<512xi32, #tpu.memory_space<vmem>> -> memref<128xi32, #tpu.memory_space<vmem>>
    %dma_wait3A_70 = arith.constant 0 : i32
    %dma_wait3A_71 = arith.constant 0 : i32
    %dma_wait3A_72 = tpu.memref_slice %arg4[%dma_wait3A_70, %dma_wait3A_71] : memref<3001x56xf32, #tpu.memory_space<hbm>> -> memref<3001x56xf32, #tpu.memory_space<hbm>>
    tpu.wait_indirect_dma semaphore(%arg12 : memref<!tpu.dma_semaphore, #tpu.memory_space<semaphore_mem>>) src(%dma_wait3A_72 : memref<3001x56xf32, #tpu.memory_space<hbm>>) dst(%dma_wait3A_67 : memref<128x56xf32, #tpu.memory_space<vmem>>)
    %dma_wait3A_73 = arith.constant 0 : i32
    %dma_wait3A_74 = arith.constant 0 : i32
    %dma_wait3A_75 = tpu.memref_slice %arg10[%dma_wait3A_73, %dma_wait3A_74] : memref<512x56xf32, #tpu.memory_space<vmem>> -> memref<128x56xf32, #tpu.memory_space<vmem>>
    %dma_wait3A_76 = arith.constant 0 : i32
    %dma_wait3A_77 = tpu.memref_slice %arg8[%dma_wait3A_76] : memref<512xi32, #tpu.memory_space<vmem>> -> memref<128xi32, #tpu.memory_space<vmem>>
    %dma_wait3A_78 = arith.constant 0 : i32
    %dma_wait3A_79 = arith.constant 0 : i32
    %dma_wait3A_80 = tpu.memref_slice %arg5[%dma_wait3A_78, %dma_wait3A_79] : memref<3001x56xf32, #tpu.memory_space<hbm>> -> memref<3001x56xf32, #tpu.memory_space<hbm>>
    tpu.wait_indirect_dma semaphore(%arg12 : memref<!tpu.dma_semaphore, #tpu.memory_space<semaphore_mem>>) src(%dma_wait3A_80 : memref<3001x56xf32, #tpu.memory_space<hbm>>) dst(%dma_wait3A_75 : memref<128x56xf32, #tpu.memory_space<vmem>>)
    %dma_wait3A_81 = arith.constant 128 : i32
    %dma_wait3A_82 = arith.constant 0 : i32
    %dma_wait3A_83 = tpu.memref_slice %arg9[%dma_wait3A_81, %dma_wait3A_82] : memref<512x56xf32, #tpu.memory_space<vmem>> -> memref<128x56xf32, #tpu.memory_space<vmem>>
    %dma_wait3A_84 = arith.constant 128 : i32
    %dma_wait3A_85 = tpu.memref_slice %arg7[%dma_wait3A_84] : memref<512xi32, #tpu.memory_space<vmem>> -> memref<128xi32, #tpu.memory_space<vmem>>
    %dma_wait3A_86 = arith.constant 0 : i32
    %dma_wait3A_87 = arith.constant 0 : i32
    %dma_wait3A_88 = tpu.memref_slice %arg4[%dma_wait3A_86, %dma_wait3A_87] : memref<3001x56xf32, #tpu.memory_space<hbm>> -> memref<3001x56xf32, #tpu.memory_space<hbm>>
    tpu.wait_indirect_dma semaphore(%arg12 : memref<!tpu.dma_semaphore, #tpu.memory_space<semaphore_mem>>) src(%dma_wait3A_88 : memref<3001x56xf32, #tpu.memory_space<hbm>>) dst(%dma_wait3A_83 : memref<128x56xf32, #tpu.memory_space<vmem>>)
    %dma_wait3A_89 = arith.constant 128 : i32
    %dma_wait3A_90 = arith.constant 0 : i32
    %dma_wait3A_91 = tpu.memref_slice %arg10[%dma_wait3A_89, %dma_wait3A_90] : memref<512x56xf32, #tpu.memory_space<vmem>> -> memref<128x56xf32, #tpu.memory_space<vmem>>
    %dma_wait3A_92 = arith.constant 128 : i32
    %dma_wait3A_93 = tpu.memref_slice %arg8[%dma_wait3A_92] : memref<512xi32, #tpu.memory_space<vmem>> -> memref<128xi32, #tpu.memory_space<vmem>>
    %dma_wait3A_94 = arith.constant 0 : i32
    %dma_wait3A_95 = arith.constant 0 : i32
    %dma_wait3A_96 = tpu.memref_slice %arg5[%dma_wait3A_94, %dma_wait3A_95] : memref<3001x56xf32, #tpu.memory_space<hbm>> -> memref<3001x56xf32, #tpu.memory_space<hbm>>
    tpu.wait_indirect_dma semaphore(%arg12 : memref<!tpu.dma_semaphore, #tpu.memory_space<semaphore_mem>>) src(%dma_wait3A_96 : memref<3001x56xf32, #tpu.memory_space<hbm>>) dst(%dma_wait3A_91 : memref<128x56xf32, #tpu.memory_space<vmem>>)
    %dma_wait3A_97 = arith.constant 256 : i32
    %dma_wait3A_98 = arith.constant 0 : i32
    %dma_wait3A_99 = tpu.memref_slice %arg9[%dma_wait3A_97, %dma_wait3A_98] : memref<512x56xf32, #tpu.memory_space<vmem>> -> memref<128x56xf32, #tpu.memory_space<vmem>>
    %dma_wait3A_100 = arith.constant 256 : i32
    %dma_wait3A_101 = tpu.memref_slice %arg7[%dma_wait3A_100] : memref<512xi32, #tpu.memory_space<vmem>> -> memref<128xi32, #tpu.memory_space<vmem>>
    %dma_wait3A_102 = arith.constant 0 : i32
    %dma_wait3A_103 = arith.constant 0 : i32
    %dma_wait3A_104 = tpu.memref_slice %arg4[%dma_wait3A_102, %dma_wait3A_103] : memref<3001x56xf32, #tpu.memory_space<hbm>> -> memref<3001x56xf32, #tpu.memory_space<hbm>>
    tpu.wait_indirect_dma semaphore(%arg12 : memref<!tpu.dma_semaphore, #tpu.memory_space<semaphore_mem>>) src(%dma_wait3A_104 : memref<3001x56xf32, #tpu.memory_space<hbm>>) dst(%dma_wait3A_99 : memref<128x56xf32, #tpu.memory_space<vmem>>)
    %dma_wait3A_105 = arith.constant 256 : i32
    %dma_wait3A_106 = arith.constant 0 : i32
    %dma_wait3A_107 = tpu.memref_slice %arg10[%dma_wait3A_105, %dma_wait3A_106] : memref<512x56xf32, #tpu.memory_space<vmem>> -> memref<128x56xf32, #tpu.memory_space<vmem>>
    %dma_wait3A_108 = arith.constant 256 : i32
    %dma_wait3A_109 = tpu.memref_slice %arg8[%dma_wait3A_108] : memref<512xi32, #tpu.memory_space<vmem>> -> memref<128xi32, #tpu.memory_space<vmem>>
    %dma_wait3A_110 = arith.constant 0 : i32
    %dma_wait3A_111 = arith.constant 0 : i32
    %dma_wait3A_112 = tpu.memref_slice %arg5[%dma_wait3A_110, %dma_wait3A_111] : memref<3001x56xf32, #tpu.memory_space<hbm>> -> memref<3001x56xf32, #tpu.memory_space<hbm>>
    tpu.wait_indirect_dma semaphore(%arg12 : memref<!tpu.dma_semaphore, #tpu.memory_space<semaphore_mem>>) src(%dma_wait3A_112 : memref<3001x56xf32, #tpu.memory_space<hbm>>) dst(%dma_wait3A_107 : memref<128x56xf32, #tpu.memory_space<vmem>>)
    %dma_wait3A_113 = arith.constant 384 : i32
    %dma_wait3A_114 = arith.constant 0 : i32
    %dma_wait3A_115 = tpu.memref_slice %arg9[%dma_wait3A_113, %dma_wait3A_114] : memref<512x56xf32, #tpu.memory_space<vmem>> -> memref<128x56xf32, #tpu.memory_space<vmem>>
    %dma_wait3A_116 = arith.constant 384 : i32
    %dma_wait3A_117 = tpu.memref_slice %arg7[%dma_wait3A_116] : memref<512xi32, #tpu.memory_space<vmem>> -> memref<128xi32, #tpu.memory_space<vmem>>
    %dma_wait3A_118 = arith.constant 0 : i32
    %dma_wait3A_119 = arith.constant 0 : i32
    %dma_wait3A_120 = tpu.memref_slice %arg4[%dma_wait3A_118, %dma_wait3A_119] : memref<3001x56xf32, #tpu.memory_space<hbm>> -> memref<3001x56xf32, #tpu.memory_space<hbm>>
    tpu.wait_indirect_dma semaphore(%arg12 : memref<!tpu.dma_semaphore, #tpu.memory_space<semaphore_mem>>) src(%dma_wait3A_120 : memref<3001x56xf32, #tpu.memory_space<hbm>>) dst(%dma_wait3A_115 : memref<128x56xf32, #tpu.memory_space<vmem>>)
    %dma_wait3A_121 = arith.constant 384 : i32
    %dma_wait3A_122 = arith.constant 0 : i32
    %dma_wait3A_123 = tpu.memref_slice %arg10[%dma_wait3A_121, %dma_wait3A_122] : memref<512x56xf32, #tpu.memory_space<vmem>> -> memref<128x56xf32, #tpu.memory_space<vmem>>
    %dma_wait3A_124 = arith.constant 384 : i32
    %dma_wait3A_125 = tpu.memref_slice %arg8[%dma_wait3A_124] : memref<512xi32, #tpu.memory_space<vmem>> -> memref<128xi32, #tpu.memory_space<vmem>>
    %dma_wait3A_126 = arith.constant 0 : i32
    %dma_wait3A_127 = arith.constant 0 : i32
    %dma_wait3A_128 = tpu.memref_slice %arg5[%dma_wait3A_126, %dma_wait3A_127] : memref<3001x56xf32, #tpu.memory_space<hbm>> -> memref<3001x56xf32, #tpu.memory_space<hbm>>
    tpu.wait_indirect_dma semaphore(%arg12 : memref<!tpu.dma_semaphore, #tpu.memory_space<semaphore_mem>>) src(%dma_wait3A_128 : memref<3001x56xf32, #tpu.memory_space<hbm>>) dst(%dma_wait3A_123 : memref<128x56xf32, #tpu.memory_space<vmem>>)
    %scan3A = arith.constant 0 : i32
    %scan3A_129 = arith.constant 0 : i32
    %scan3A_130 = arith.constant 32 : i32
    %scan3A_131 = arith.addi %scan3A_129, %scan3A_130 : i32
    %scan3A_132 = arith.constant 1 : i32
    scf.for %scan3A_134 = %scan3A_129 to %scan3A_131 step %scan3A_132  : i32 {
      %mul3A_135 = arith.constant 16 : i32
      %mul3A_136 = arith.muli %scan3A_134, %mul3A_135 : i32
      %iota3A = tpu.iota {dimensions = array<i32: 0>} : vector<16xi32>
      %add3A_137 = vector.broadcast %mul3A_136 : i32 to vector<16xi32>
      %add3A_138 = arith.addi %add3A_137, %iota3A : vector<16xi32>
      %broadcast_in_dim3A = arith.constant 0.000000e+00 : f32
      %broadcast_in_dim3A_139 = vector.broadcast %broadcast_in_dim3A : f32 to vector<16xf32>
      %broadcast_in_dim3A_140 = arith.constant 0 : i32
      %broadcast_in_dim3A_141 = vector.broadcast %broadcast_in_dim3A_140 : i32 to vector<16xi32>
      %gather3A = tpu.vector_load_idx %arg9[%add3A_138, %broadcast_in_dim3A_141] : memref<512x56xf32, #tpu.memory_space<vmem>>[vector<16xi32>, vector<16xi32>], vector<16xf32>,
      %gather3A_142 = tpu.vector_load_idx %arg10[%add3A_138, %broadcast_in_dim3A_141] : memref<512x56xf32, #tpu.memory_space<vmem>>[vector<16xi32>, vector<16xi32>], vector<16xf32>,
      %mul3A_143 = arith.mulf %gather3A, %gather3A_142 : vector<16xf32>
      %add3A_144 = arith.addf %broadcast_in_dim3A_139, %mul3A_143 : vector<16xf32>
      %broadcast_in_dim3A_145 = arith.constant 1 : i32
      %broadcast_in_dim3A_146 = vector.broadcast %broadcast_in_dim3A_145 : i32 to vector<16xi32>
      %gather3A_147 = tpu.vector_load_idx %arg9[%add3A_138, %broadcast_in_dim3A_146] : memref<512x56xf32, #tpu.memory_space<vmem>>[vector<16xi32>, vector<16xi32>], vector<16xf32>,
      %gather3A_148 = tpu.vector_load_idx %arg10[%add3A_138, %broadcast_in_dim3A_146] : memref<512x56xf32, #tpu.memory_space<vmem>>[vector<16xi32>, vector<16xi32>], vector<16xf32>,
      %mul3A_149 = arith.mulf %gather3A_147, %gather3A_148 : vector<16xf32>
      %add3A_150 = arith.addf %add3A_144, %mul3A_149 : vector<16xf32>
      %broadcast_in_dim3A_151 = arith.constant 2 : i32
      %broadcast_in_dim3A_152 = vector.broadcast %broadcast_in_dim3A_151 : i32 to vector<16xi32>
      %gather3A_153 = tpu.vector_load_idx %arg9[%add3A_138, %broadcast_in_dim3A_152] : memref<512x56xf32, #tpu.memory_space<vmem>>[vector<16xi32>, vector<16xi32>], vector<16xf32>,
      %gather3A_154 = tpu.vector_load_idx %arg10[%add3A_138, %broadcast_in_dim3A_152] : memref<512x56xf32, #tpu.memory_space<vmem>>[vector<16xi32>, vector<16xi32>], vector<16xf32>,
      %mul3A_155 = arith.mulf %gather3A_153, %gather3A_154 : vector<16xf32>
      %add3A_156 = arith.addf %add3A_150, %mul3A_155 : vector<16xf32>
      %broadcast_in_dim3A_157 = arith.constant 3 : i32
      %broadcast_in_dim3A_158 = vector.broadcast %broadcast_in_dim3A_157 : i32 to vector<16xi32>
      %gather3A_159 = tpu.vector_load_idx %arg9[%add3A_138, %broadcast_in_dim3A_158] : memref<512x56xf32, #tpu.memory_space<vmem>>[vector<16xi32>, vector<16xi32>], vector<16xf32>,
      %gather3A_160 = tpu.vector_load_idx %arg10[%add3A_138, %broadcast_in_dim3A_158] : memref<512x56xf32, #tpu.memory_space<vmem>>[vector<16xi32>, vector<16xi32>], vector<16xf32>,
      %mul3A_161 = arith.mulf %gather3A_159, %gather3A_160 : vector<16xf32>
      %add3A_162 = arith.addf %add3A_156, %mul3A_161 : vector<16xf32>
      %broadcast_in_dim3A_163 = arith.constant 4 : i32
      %broadcast_in_dim3A_164 = vector.broadcast %broadcast_in_dim3A_163 : i32 to vector<16xi32>
      %gather3A_165 = tpu.vector_load_idx %arg9[%add3A_138, %broadcast_in_dim3A_164] : memref<512x56xf32, #tpu.memory_space<vmem>>[vector<16xi32>, vector<16xi32>], vector<16xf32>,
      %gather3A_166 = tpu.vector_load_idx %arg10[%add3A_138, %broadcast_in_dim3A_164] : memref<512x56xf32, #tpu.memory_space<vmem>>[vector<16xi32>, vector<16xi32>], vector<16xf32>,
      %mul3A_167 = arith.mulf %gather3A_165, %gather3A_166 : vector<16xf32>
      %add3A_168 = arith.addf %add3A_162, %mul3A_167 : vector<16xf32>
      %broadcast_in_dim3A_169 = arith.constant 5 : i32
      %broadcast_in_dim3A_170 = vector.broadcast %broadcast_in_dim3A_169 : i32 to vector<16xi32>
      %gather3A_171 = tpu.vector_load_idx %arg9[%add3A_138, %broadcast_in_dim3A_170] : memref<512x56xf32, #tpu.memory_space<vmem>>[vector<16xi32>, vector<16xi32>], vector<16xf32>,
      %gather3A_172 = tpu.vector_load_idx %arg10[%add3A_138, %broadcast_in_dim3A_170] : memref<512x56xf32, #tpu.memory_space<vmem>>[vector<16xi32>, vector<16xi32>], vector<16xf32>,
      %mul3A_173 = arith.mulf %gather3A_171, %gather3A_172 : vector<16xf32>
      %add3A_174 = arith.addf %add3A_168, %mul3A_173 : vector<16xf32>
      %broadcast_in_dim3A_175 = arith.constant 6 : i32
      %broadcast_in_dim3A_176 = vector.broadcast %broadcast_in_dim3A_175 : i32 to vector<16xi32>
      %gather3A_177 = tpu.vector_load_idx %arg9[%add3A_138, %broadcast_in_dim3A_176] : memref<512x56xf32, #tpu.memory_space<vmem>>[vector<16xi32>, vector<16xi32>], vector<16xf32>,
      %gather3A_178 = tpu.vector_load_idx %arg10[%add3A_138, %broadcast_in_dim3A_176] : memref<512x56xf32, #tpu.memory_space<vmem>>[vector<16xi32>, vector<16xi32>], vector<16xf32>,
      %mul3A_179 = arith.mulf %gather3A_177, %gather3A_178 : vector<16xf32>
      %add3A_180 = arith.addf %add3A_174, %mul3A_179 : vector<16xf32>
      %broadcast_in_dim3A_181 = arith.constant 7 : i32
      %broadcast_in_dim3A_182 = vector.broadcast %broadcast_in_dim3A_181 : i32 to vector<16xi32>
      %gather3A_183 = tpu.vector_load_idx %arg9[%add3A_138, %broadcast_in_dim3A_182] : memref<512x56xf32, #tpu.memory_space<vmem>>[vector<16xi32>, vector<16xi32>], vector<16xf32>,
      %gather3A_184 = tpu.vector_load_idx %arg10[%add3A_138, %broadcast_in_dim3A_182] : memref<512x56xf32, #tpu.memory_space<vmem>>[vector<16xi32>, vector<16xi32>], vector<16xf32>,
      %mul3A_185 = arith.mulf %gather3A_183, %gather3A_184 : vector<16xf32>
      %add3A_186 = arith.addf %add3A_180, %mul3A_185 : vector<16xf32>
      %broadcast_in_dim3A_187 = arith.constant 8 : i32
      %broadcast_in_dim3A_188 = vector.broadcast %broadcast_in_dim3A_187 : i32 to vector<16xi32>
      %gather3A_189 = tpu.vector_load_idx %arg9[%add3A_138, %broadcast_in_dim3A_188] : memref<512x56xf32, #tpu.memory_space<vmem>>[vector<16xi32>, vector<16xi32>], vector<16xf32>,
      %gather3A_190 = tpu.vector_load_idx %arg10[%add3A_138, %broadcast_in_dim3A_188] : memref<512x56xf32, #tpu.memory_space<vmem>>[vector<16xi32>, vector<16xi32>], vector<16xf32>,
      %mul3A_191 = arith.mulf %gather3A_189, %gather3A_190 : vector<16xf32>
      %add3A_192 = arith.addf %add3A_186, %mul3A_191 : vector<16xf32>
      %broadcast_in_dim3A_193 = arith.constant 9 : i32
      %broadcast_in_dim3A_194 = vector.broadcast %broadcast_in_dim3A_193 : i32 to vector<16xi32>
      %gather3A_195 = tpu.vector_load_idx %arg9[%add3A_138, %broadcast_in_dim3A_194] : memref<512x56xf32, #tpu.memory_space<vmem>>[vector<16xi32>, vector<16xi32>], vector<16xf32>,
      %gather3A_196 = tpu.vector_load_idx %arg10[%add3A_138, %broadcast_in_dim3A_194] : memref<512x56xf32, #tpu.memory_space<vmem>>[vector<16xi32>, vector<16xi32>], vector<16xf32>,
      %mul3A_197 = arith.mulf %gather3A_195, %gather3A_196 : vector<16xf32>
      %add3A_198 = arith.addf %add3A_192, %mul3A_197 : vector<16xf32>
      %broadcast_in_dim3A_199 = arith.constant 10 : i32
      %broadcast_in_dim3A_200 = vector.broadcast %broadcast_in_dim3A_199 : i32 to vector<16xi32>
      %gather3A_201 = tpu.vector_load_idx %arg9[%add3A_138, %broadcast_in_dim3A_200] : memref<512x56xf32, #tpu.memory_space<vmem>>[vector<16xi32>, vector<16xi32>], vector<16xf32>,
      %gather3A_202 = tpu.vector_load_idx %arg10[%add3A_138, %broadcast_in_dim3A_200] : memref<512x56xf32, #tpu.memory_space<vmem>>[vector<16xi32>, vector<16xi32>], vector<16xf32>,
      %mul3A_203 = arith.mulf %gather3A_201, %gather3A_202 : vector<16xf32>
      %add3A_204 = arith.addf %add3A_198, %mul3A_203 : vector<16xf32>
      %broadcast_in_dim3A_205 = arith.constant 11 : i32
      %broadcast_in_dim3A_206 = vector.broadcast %broadcast_in_dim3A_205 : i32 to vector<16xi32>
      %gather3A_207 = tpu.vector_load_idx %arg9[%add3A_138, %broadcast_in_dim3A_206] : memref<512x56xf32, #tpu.memory_space<vmem>>[vector<16xi32>, vector<16xi32>], vector<16xf32>,
      %gather3A_208 = tpu.vector_load_idx %arg10[%add3A_138, %broadcast_in_dim3A_206] : memref<512x56xf32, #tpu.memory_space<vmem>>[vector<16xi32>, vector<16xi32>], vector<16xf32>,
      %mul3A_209 = arith.mulf %gather3A_207, %gather3A_208 : vector<16xf32>
      %add3A_210 = arith.addf %add3A_204, %mul3A_209 : vector<16xf32>
      %broadcast_in_dim3A_211 = arith.constant 12 : i32
      %broadcast_in_dim3A_212 = vector.broadcast %broadcast_in_dim3A_211 : i32 to vector<16xi32>
      %gather3A_213 = tpu.vector_load_idx %arg9[%add3A_138, %broadcast_in_dim3A_212] : memref<512x56xf32, #tpu.memory_space<vmem>>[vector<16xi32>, vector<16xi32>], vector<16xf32>,
      %gather3A_214 = tpu.vector_load_idx %arg10[%add3A_138, %broadcast_in_dim3A_212] : memref<512x56xf32, #tpu.memory_space<vmem>>[vector<16xi32>, vector<16xi32>], vector<16xf32>,
      %mul3A_215 = arith.mulf %gather3A_213, %gather3A_214 : vector<16xf32>
      %add3A_216 = arith.addf %add3A_210, %mul3A_215 : vector<16xf32>
      %broadcast_in_dim3A_217 = arith.constant 13 : i32
      %broadcast_in_dim3A_218 = vector.broadcast %broadcast_in_dim3A_217 : i32 to vector<16xi32>
      %gather3A_219 = tpu.vector_load_idx %arg9[%add3A_138, %broadcast_in_dim3A_218] : memref<512x56xf32, #tpu.memory_space<vmem>>[vector<16xi32>, vector<16xi32>], vector<16xf32>,
      %gather3A_220 = tpu.vector_load_idx %arg10[%add3A_138, %broadcast_in_dim3A_218] : memref<512x56xf32, #tpu.memory_space<vmem>>[vector<16xi32>, vector<16xi32>], vector<16xf32>,
      %mul3A_221 = arith.mulf %gather3A_219, %gather3A_220 : vector<16xf32>
      %add3A_222 = arith.addf %add3A_216, %mul3A_221 : vector<16xf32>
      %broadcast_in_dim3A_223 = arith.constant 14 : i32
      %broadcast_in_dim3A_224 = vector.broadcast %broadcast_in_dim3A_223 : i32 to vector<16xi32>
      %gather3A_225 = tpu.vector_load_idx %arg9[%add3A_138, %broadcast_in_dim3A_224] : memref<512x56xf32, #tpu.memory_space<vmem>>[vector<16xi32>, vector<16xi32>], vector<16xf32>,
      %gather3A_226 = tpu.vector_load_idx %arg10[%add3A_138, %broadcast_in_dim3A_224] : memref<512x56xf32, #tpu.memory_space<vmem>>[vector<16xi32>, vector<16xi32>], vector<16xf32>,
      %mul3A_227 = arith.mulf %gather3A_225, %gather3A_226 : vector<16xf32>
      %add3A_228 = arith.addf %add3A_222, %mul3A_227 : vector<16xf32>
      %broadcast_in_dim3A_229 = arith.constant 15 : i32
      %broadcast_in_dim3A_230 = vector.broadcast %broadcast_in_dim3A_229 : i32 to vector<16xi32>
      %gather3A_231 = tpu.vector_load_idx %arg9[%add3A_138, %broadcast_in_dim3A_230] : memref<512x56xf32, #tpu.memory_space<vmem>>[vector<16xi32>, vector<16xi32>], vector<16xf32>,
      %gather3A_232 = tpu.vector_load_idx %arg10[%add3A_138, %broadcast_in_dim3A_230] : memref<512x56xf32, #tpu.memory_space<vmem>>[vector<16xi32>, vector<16xi32>], vector<16xf32>,
      %mul3A_233 = arith.mulf %gather3A_231, %gather3A_232 : vector<16xf32>
      %add3A_234 = arith.addf %add3A_228, %mul3A_233 : vector<16xf32>
      %broadcast_in_dim3A_235 = arith.constant 16 : i32
      %broadcast_in_dim3A_236 = vector.broadcast %broadcast_in_dim3A_235 : i32 to vector<16xi32>
      %gather3A_237 = tpu.vector_load_idx %arg9[%add3A_138, %broadcast_in_dim3A_236] : memref<512x56xf32, #tpu.memory_space<vmem>>[vector<16xi32>, vector<16xi32>], vector<16xf32>,
      %gather3A_238 = tpu.vector_load_idx %arg10[%add3A_138, %broadcast_in_dim3A_236] : memref<512x56xf32, #tpu.memory_space<vmem>>[vector<16xi32>, vector<16xi32>], vector<16xf32>,
      %mul3A_239 = arith.mulf %gather3A_237, %gather3A_238 : vector<16xf32>
      %add3A_240 = arith.addf %add3A_234, %mul3A_239 : vector<16xf32>
      %broadcast_in_dim3A_241 = arith.constant 17 : i32
      %broadcast_in_dim3A_242 = vector.broadcast %broadcast_in_dim3A_241 : i32 to vector<16xi32>
      %gather3A_243 = tpu.vector_load_idx %arg9[%add3A_138, %broadcast_in_dim3A_242] : memref<512x56xf32, #tpu.memory_space<vmem>>[vector<16xi32>, vector<16xi32>], vector<16xf32>,
      %gather3A_244 = tpu.vector_load_idx %arg10[%add3A_138, %broadcast_in_dim3A_242] : memref<512x56xf32, #tpu.memory_space<vmem>>[vector<16xi32>, vector<16xi32>], vector<16xf32>,
      %mul3A_245 = arith.mulf %gather3A_243, %gather3A_244 : vector<16xf32>
      %add3A_246 = arith.addf %add3A_240, %mul3A_245 : vector<16xf32>
      %broadcast_in_dim3A_247 = arith.constant 18 : i32
      %broadcast_in_dim3A_248 = vector.broadcast %broadcast_in_dim3A_247 : i32 to vector<16xi32>
      %gather3A_249 = tpu.vector_load_idx %arg9[%add3A_138, %broadcast_in_dim3A_248] : memref<512x56xf32, #tpu.memory_space<vmem>>[vector<16xi32>, vector<16xi32>], vector<16xf32>,
      %gather3A_250 = tpu.vector_load_idx %arg10[%add3A_138, %broadcast_in_dim3A_248] : memref<512x56xf32, #tpu.memory_space<vmem>>[vector<16xi32>, vector<16xi32>], vector<16xf32>,
      %mul3A_251 = arith.mulf %gather3A_249, %gather3A_250 : vector<16xf32>
      %add3A_252 = arith.addf %add3A_246, %mul3A_251 : vector<16xf32>
      %broadcast_in_dim3A_253 = arith.constant 19 : i32
      %broadcast_in_dim3A_254 = vector.broadcast %broadcast_in_dim3A_253 : i32 to vector<16xi32>
      %gather3A_255 = tpu.vector_load_idx %arg9[%add3A_138, %broadcast_in_dim3A_254] : memref<512x56xf32, #tpu.memory_space<vmem>>[vector<16xi32>, vector<16xi32>], vector<16xf32>,
      %gather3A_256 = tpu.vector_load_idx %arg10[%add3A_138, %broadcast_in_dim3A_254] : memref<512x56xf32, #tpu.memory_space<vmem>>[vector<16xi32>, vector<16xi32>], vector<16xf32>,
      %mul3A_257 = arith.mulf %gather3A_255, %gather3A_256 : vector<16xf32>
      %add3A_258 = arith.addf %add3A_252, %mul3A_257 : vector<16xf32>
      %broadcast_in_dim3A_259 = arith.constant 20 : i32
      %broadcast_in_dim3A_260 = vector.broadcast %broadcast_in_dim3A_259 : i32 to vector<16xi32>
      %gather3A_261 = tpu.vector_load_idx %arg9[%add3A_138, %broadcast_in_dim3A_260] : memref<512x56xf32, #tpu.memory_space<vmem>>[vector<16xi32>, vector<16xi32>], vector<16xf32>,
      %gather3A_262 = tpu.vector_load_idx %arg10[%add3A_138, %broadcast_in_dim3A_260] : memref<512x56xf32, #tpu.memory_space<vmem>>[vector<16xi32>, vector<16xi32>], vector<16xf32>,
      %mul3A_263 = arith.mulf %gather3A_261, %gather3A_262 : vector<16xf32>
      %add3A_264 = arith.addf %add3A_258, %mul3A_263 : vector<16xf32>
      %broadcast_in_dim3A_265 = arith.constant 21 : i32
      %broadcast_in_dim3A_266 = vector.broadcast %broadcast_in_dim3A_265 : i32 to vector<16xi32>
      %gather3A_267 = tpu.vector_load_idx %arg9[%add3A_138, %broadcast_in_dim3A_266] : memref<512x56xf32, #tpu.memory_space<vmem>>[vector<16xi32>, vector<16xi32>], vector<16xf32>,
      %gather3A_268 = tpu.vector_load_idx %arg10[%add3A_138, %broadcast_in_dim3A_266] : memref<512x56xf32, #tpu.memory_space<vmem>>[vector<16xi32>, vector<16xi32>], vector<16xf32>,
      %mul3A_269 = arith.mulf %gather3A_267, %gather3A_268 : vector<16xf32>
      %add3A_270 = arith.addf %add3A_264, %mul3A_269 : vector<16xf32>
      %broadcast_in_dim3A_271 = arith.constant 22 : i32
      %broadcast_in_dim3A_272 = vector.broadcast %broadcast_in_dim3A_271 : i32 to vector<16xi32>
      %gather3A_273 = tpu.vector_load_idx %arg9[%add3A_138, %broadcast_in_dim3A_272] : memref<512x56xf32, #tpu.memory_space<vmem>>[vector<16xi32>, vector<16xi32>], vector<16xf32>,
      %gather3A_274 = tpu.vector_load_idx %arg10[%add3A_138, %broadcast_in_dim3A_272] : memref<512x56xf32, #tpu.memory_space<vmem>>[vector<16xi32>, vector<16xi32>], vector<16xf32>,
      %mul3A_275 = arith.mulf %gather3A_273, %gather3A_274 : vector<16xf32>
      %add3A_276 = arith.addf %add3A_270, %mul3A_275 : vector<16xf32>
      %broadcast_in_dim3A_277 = arith.constant 23 : i32
      %broadcast_in_dim3A_278 = vector.broadcast %broadcast_in_dim3A_277 : i32 to vector<16xi32>
      %gather3A_279 = tpu.vector_load_idx %arg9[%add3A_138, %broadcast_in_dim3A_278] : memref<512x56xf32, #tpu.memory_space<vmem>>[vector<16xi32>, vector<16xi32>], vector<16xf32>,
      %gather3A_280 = tpu.vector_load_idx %arg10[%add3A_138, %broadcast_in_dim3A_278] : memref<512x56xf32, #tpu.memory_space<vmem>>[vector<16xi32>, vector<16xi32>], vector<16xf32>,
      %mul3A_281 = arith.mulf %gather3A_279, %gather3A_280 : vector<16xf32>
      %add3A_282 = arith.addf %add3A_276, %mul3A_281 : vector<16xf32>
      %broadcast_in_dim3A_283 = arith.constant 24 : i32
      %broadcast_in_dim3A_284 = vector.broadcast %broadcast_in_dim3A_283 : i32 to vector<16xi32>
      %gather3A_285 = tpu.vector_load_idx %arg9[%add3A_138, %broadcast_in_dim3A_284] : memref<512x56xf32, #tpu.memory_space<vmem>>[vector<16xi32>, vector<16xi32>], vector<16xf32>,
      %gather3A_286 = tpu.vector_load_idx %arg10[%add3A_138, %broadcast_in_dim3A_284] : memref<512x56xf32, #tpu.memory_space<vmem>>[vector<16xi32>, vector<16xi32>], vector<16xf32>,
      %mul3A_287 = arith.mulf %gather3A_285, %gather3A_286 : vector<16xf32>
      %add3A_288 = arith.addf %add3A_282, %mul3A_287 : vector<16xf32>
      %broadcast_in_dim3A_289 = arith.constant 25 : i32
      %broadcast_in_dim3A_290 = vector.broadcast %broadcast_in_dim3A_289 : i32 to vector<16xi32>
      %gather3A_291 = tpu.vector_load_idx %arg9[%add3A_138, %broadcast_in_dim3A_290] : memref<512x56xf32, #tpu.memory_space<vmem>>[vector<16xi32>, vector<16xi32>], vector<16xf32>,
      %gather3A_292 = tpu.vector_load_idx %arg10[%add3A_138, %broadcast_in_dim3A_290] : memref<512x56xf32, #tpu.memory_space<vmem>>[vector<16xi32>, vector<16xi32>], vector<16xf32>,
      %mul3A_293 = arith.mulf %gather3A_291, %gather3A_292 : vector<16xf32>
      %add3A_294 = arith.addf %add3A_288, %mul3A_293 : vector<16xf32>
      %broadcast_in_dim3A_295 = arith.constant 26 : i32
      %broadcast_in_dim3A_296 = vector.broadcast %broadcast_in_dim3A_295 : i32 to vector<16xi32>
      %gather3A_297 = tpu.vector_load_idx %arg9[%add3A_138, %broadcast_in_dim3A_296] : memref<512x56xf32, #tpu.memory_space<vmem>>[vector<16xi32>, vector<16xi32>], vector<16xf32>,
      %gather3A_298 = tpu.vector_load_idx %arg10[%add3A_138, %broadcast_in_dim3A_296] : memref<512x56xf32, #tpu.memory_space<vmem>>[vector<16xi32>, vector<16xi32>], vector<16xf32>,
      %mul3A_299 = arith.mulf %gather3A_297, %gather3A_298 : vector<16xf32>
      %add3A_300 = arith.addf %add3A_294, %mul3A_299 : vector<16xf32>
      %broadcast_in_dim3A_301 = arith.constant 27 : i32
      %broadcast_in_dim3A_302 = vector.broadcast %broadcast_in_dim3A_301 : i32 to vector<16xi32>
      %gather3A_303 = tpu.vector_load_idx %arg9[%add3A_138, %broadcast_in_dim3A_302] : memref<512x56xf32, #tpu.memory_space<vmem>>[vector<16xi32>, vector<16xi32>], vector<16xf32>,
      %gather3A_304 = tpu.vector_load_idx %arg10[%add3A_138, %broadcast_in_dim3A_302] : memref<512x56xf32, #tpu.memory_space<vmem>>[vector<16xi32>, vector<16xi32>], vector<16xf32>,
      %mul3A_305 = arith.mulf %gather3A_303, %gather3A_304 : vector<16xf32>
      %add3A_306 = arith.addf %add3A_300, %mul3A_305 : vector<16xf32>
      %broadcast_in_dim3A_307 = arith.constant 28 : i32
      %broadcast_in_dim3A_308 = vector.broadcast %broadcast_in_dim3A_307 : i32 to vector<16xi32>
      %gather3A_309 = tpu.vector_load_idx %arg9[%add3A_138, %broadcast_in_dim3A_308] : memref<512x56xf32, #tpu.memory_space<vmem>>[vector<16xi32>, vector<16xi32>], vector<16xf32>,
      %gather3A_310 = tpu.vector_load_idx %arg10[%add3A_138, %broadcast_in_dim3A_308] : memref<512x56xf32, #tpu.memory_space<vmem>>[vector<16xi32>, vector<16xi32>], vector<16xf32>,
      %mul3A_311 = arith.mulf %gather3A_309, %gather3A_310 : vector<16xf32>
      %add3A_312 = arith.addf %add3A_306, %mul3A_311 : vector<16xf32>
      %broadcast_in_dim3A_313 = arith.constant 29 : i32
      %broadcast_in_dim3A_314 = vector.broadcast %broadcast_in_dim3A_313 : i32 to vector<16xi32>
      %gather3A_315 = tpu.vector_load_idx %arg9[%add3A_138, %broadcast_in_dim3A_314] : memref<512x56xf32, #tpu.memory_space<vmem>>[vector<16xi32>, vector<16xi32>], vector<16xf32>,
      %gather3A_316 = tpu.vector_load_idx %arg10[%add3A_138, %broadcast_in_dim3A_314] : memref<512x56xf32, #tpu.memory_space<vmem>>[vector<16xi32>, vector<16xi32>], vector<16xf32>,
      %mul3A_317 = arith.mulf %gather3A_315, %gather3A_316 : vector<16xf32>
      %add3A_318 = arith.addf %add3A_312, %mul3A_317 : vector<16xf32>
      %broadcast_in_dim3A_319 = arith.constant 30 : i32
      %broadcast_in_dim3A_320 = vector.broadcast %broadcast_in_dim3A_319 : i32 to vector<16xi32>
      %gather3A_321 = tpu.vector_load_idx %arg9[%add3A_138, %broadcast_in_dim3A_320] : memref<512x56xf32, #tpu.memory_space<vmem>>[vector<16xi32>, vector<16xi32>], vector<16xf32>,
      %gather3A_322 = tpu.vector_load_idx %arg10[%add3A_138, %broadcast_in_dim3A_320] : memref<512x56xf32, #tpu.memory_space<vmem>>[vector<16xi32>, vector<16xi32>], vector<16xf32>,
      %mul3A_323 = arith.mulf %gather3A_321, %gather3A_322 : vector<16xf32>
      %add3A_324 = arith.addf %add3A_318, %mul3A_323 : vector<16xf32>
      %broadcast_in_dim3A_325 = arith.constant 31 : i32
      %broadcast_in_dim3A_326 = vector.broadcast %broadcast_in_dim3A_325 : i32 to vector<16xi32>
      %gather3A_327 = tpu.vector_load_idx %arg9[%add3A_138, %broadcast_in_dim3A_326] : memref<512x56xf32, #tpu.memory_space<vmem>>[vector<16xi32>, vector<16xi32>], vector<16xf32>,
      %gather3A_328 = tpu.vector_load_idx %arg10[%add3A_138, %broadcast_in_dim3A_326] : memref<512x56xf32, #tpu.memory_space<vmem>>[vector<16xi32>, vector<16xi32>], vector<16xf32>,
      %mul3A_329 = arith.mulf %gather3A_327, %gather3A_328 : vector<16xf32>
      %add3A_330 = arith.addf %add3A_324, %mul3A_329 : vector<16xf32>
      %broadcast_in_dim3A_331 = arith.constant 32 : i32
      %broadcast_in_dim3A_332 = vector.broadcast %broadcast_in_dim3A_331 : i32 to vector<16xi32>
      %gather3A_333 = tpu.vector_load_idx %arg9[%add3A_138, %broadcast_in_dim3A_332] : memref<512x56xf32, #tpu.memory_space<vmem>>[vector<16xi32>, vector<16xi32>], vector<16xf32>,
      %gather3A_334 = tpu.vector_load_idx %arg10[%add3A_138, %broadcast_in_dim3A_332] : memref<512x56xf32, #tpu.memory_space<vmem>>[vector<16xi32>, vector<16xi32>], vector<16xf32>,
      %mul3A_335 = arith.mulf %gather3A_333, %gather3A_334 : vector<16xf32>
      %add3A_336 = arith.addf %add3A_330, %mul3A_335 : vector<16xf32>
      %broadcast_in_dim3A_337 = arith.constant 33 : i32
      %broadcast_in_dim3A_338 = vector.broadcast %broadcast_in_dim3A_337 : i32 to vector<16xi32>
      %gather3A_339 = tpu.vector_load_idx %arg9[%add3A_138, %broadcast_in_dim3A_338] : memref<512x56xf32, #tpu.memory_space<vmem>>[vector<16xi32>, vector<16xi32>], vector<16xf32>,
      %gather3A_340 = tpu.vector_load_idx %arg10[%add3A_138, %broadcast_in_dim3A_338] : memref<512x56xf32, #tpu.memory_space<vmem>>[vector<16xi32>, vector<16xi32>], vector<16xf32>,
      %mul3A_341 = arith.mulf %gather3A_339, %gather3A_340 : vector<16xf32>
      %add3A_342 = arith.addf %add3A_336, %mul3A_341 : vector<16xf32>
      %broadcast_in_dim3A_343 = arith.constant 34 : i32
      %broadcast_in_dim3A_344 = vector.broadcast %broadcast_in_dim3A_343 : i32 to vector<16xi32>
      %gather3A_345 = tpu.vector_load_idx %arg9[%add3A_138, %broadcast_in_dim3A_344] : memref<512x56xf32, #tpu.memory_space<vmem>>[vector<16xi32>, vector<16xi32>], vector<16xf32>,
      %gather3A_346 = tpu.vector_load_idx %arg10[%add3A_138, %broadcast_in_dim3A_344] : memref<512x56xf32, #tpu.memory_space<vmem>>[vector<16xi32>, vector<16xi32>], vector<16xf32>,
      %mul3A_347 = arith.mulf %gather3A_345, %gather3A_346 : vector<16xf32>
      %add3A_348 = arith.addf %add3A_342, %mul3A_347 : vector<16xf32>
      %broadcast_in_dim3A_349 = arith.constant 35 : i32
      %broadcast_in_dim3A_350 = vector.broadcast %broadcast_in_dim3A_349 : i32 to vector<16xi32>
      %gather3A_351 = tpu.vector_load_idx %arg9[%add3A_138, %broadcast_in_dim3A_350] : memref<512x56xf32, #tpu.memory_space<vmem>>[vector<16xi32>, vector<16xi32>], vector<16xf32>,
      %gather3A_352 = tpu.vector_load_idx %arg10[%add3A_138, %broadcast_in_dim3A_350] : memref<512x56xf32, #tpu.memory_space<vmem>>[vector<16xi32>, vector<16xi32>], vector<16xf32>,
      %mul3A_353 = arith.mulf %gather3A_351, %gather3A_352 : vector<16xf32>
      %add3A_354 = arith.addf %add3A_348, %mul3A_353 : vector<16xf32>
      %broadcast_in_dim3A_355 = arith.constant 36 : i32
      %broadcast_in_dim3A_356 = vector.broadcast %broadcast_in_dim3A_355 : i32 to vector<16xi32>
      %gather3A_357 = tpu.vector_load_idx %arg9[%add3A_138, %broadcast_in_dim3A_356] : memref<512x56xf32, #tpu.memory_space<vmem>>[vector<16xi32>, vector<16xi32>], vector<16xf32>,
      %gather3A_358 = tpu.vector_load_idx %arg10[%add3A_138, %broadcast_in_dim3A_356] : memref<512x56xf32, #tpu.memory_space<vmem>>[vector<16xi32>, vector<16xi32>], vector<16xf32>,
      %mul3A_359 = arith.mulf %gather3A_357, %gather3A_358 : vector<16xf32>
      %add3A_360 = arith.addf %add3A_354, %mul3A_359 : vector<16xf32>
      %broadcast_in_dim3A_361 = arith.constant 37 : i32
      %broadcast_in_dim3A_362 = vector.broadcast %broadcast_in_dim3A_361 : i32 to vector<16xi32>
      %gather3A_363 = tpu.vector_load_idx %arg9[%add3A_138, %broadcast_in_dim3A_362] : memref<512x56xf32, #tpu.memory_space<vmem>>[vector<16xi32>, vector<16xi32>], vector<16xf32>,
      %gather3A_364 = tpu.vector_load_idx %arg10[%add3A_138, %broadcast_in_dim3A_362] : memref<512x56xf32, #tpu.memory_space<vmem>>[vector<16xi32>, vector<16xi32>], vector<16xf32>,
      %mul3A_365 = arith.mulf %gather3A_363, %gather3A_364 : vector<16xf32>
      %add3A_366 = arith.addf %add3A_360, %mul3A_365 : vector<16xf32>
      %broadcast_in_dim3A_367 = arith.constant 38 : i32
      %broadcast_in_dim3A_368 = vector.broadcast %broadcast_in_dim3A_367 : i32 to vector<16xi32>
      %gather3A_369 = tpu.vector_load_idx %arg9[%add3A_138, %broadcast_in_dim3A_368] : memref<512x56xf32, #tpu.memory_space<vmem>>[vector<16xi32>, vector<16xi32>], vector<16xf32>,
      %gather3A_370 = tpu.vector_load_idx %arg10[%add3A_138, %broadcast_in_dim3A_368] : memref<512x56xf32, #tpu.memory_space<vmem>>[vector<16xi32>, vector<16xi32>], vector<16xf32>,
      %mul3A_371 = arith.mulf %gather3A_369, %gather3A_370 : vector<16xf32>
      %add3A_372 = arith.addf %add3A_366, %mul3A_371 : vector<16xf32>
      %broadcast_in_dim3A_373 = arith.constant 39 : i32
      %broadcast_in_dim3A_374 = vector.broadcast %broadcast_in_dim3A_373 : i32 to vector<16xi32>
      %gather3A_375 = tpu.vector_load_idx %arg9[%add3A_138, %broadcast_in_dim3A_374] : memref<512x56xf32, #tpu.memory_space<vmem>>[vector<16xi32>, vector<16xi32>], vector<16xf32>,
      %gather3A_376 = tpu.vector_load_idx %arg10[%add3A_138, %broadcast_in_dim3A_374] : memref<512x56xf32, #tpu.memory_space<vmem>>[vector<16xi32>, vector<16xi32>], vector<16xf32>,
      %mul3A_377 = arith.mulf %gather3A_375, %gather3A_376 : vector<16xf32>
      %add3A_378 = arith.addf %add3A_372, %mul3A_377 : vector<16xf32>
      %broadcast_in_dim3A_379 = arith.constant 40 : i32
      %broadcast_in_dim3A_380 = vector.broadcast %broadcast_in_dim3A_379 : i32 to vector<16xi32>
      %gather3A_381 = tpu.vector_load_idx %arg9[%add3A_138, %broadcast_in_dim3A_380] : memref<512x56xf32, #tpu.memory_space<vmem>>[vector<16xi32>, vector<16xi32>], vector<16xf32>,
      %gather3A_382 = tpu.vector_load_idx %arg10[%add3A_138, %broadcast_in_dim3A_380] : memref<512x56xf32, #tpu.memory_space<vmem>>[vector<16xi32>, vector<16xi32>], vector<16xf32>,
      %mul3A_383 = arith.mulf %gather3A_381, %gather3A_382 : vector<16xf32>
      %add3A_384 = arith.addf %add3A_378, %mul3A_383 : vector<16xf32>
      %broadcast_in_dim3A_385 = arith.constant 41 : i32
      %broadcast_in_dim3A_386 = vector.broadcast %broadcast_in_dim3A_385 : i32 to vector<16xi32>
      %gather3A_387 = tpu.vector_load_idx %arg9[%add3A_138, %broadcast_in_dim3A_386] : memref<512x56xf32, #tpu.memory_space<vmem>>[vector<16xi32>, vector<16xi32>], vector<16xf32>,
      %gather3A_388 = tpu.vector_load_idx %arg10[%add3A_138, %broadcast_in_dim3A_386] : memref<512x56xf32, #tpu.memory_space<vmem>>[vector<16xi32>, vector<16xi32>], vector<16xf32>,
      %mul3A_389 = arith.mulf %gather3A_387, %gather3A_388 : vector<16xf32>
      %add3A_390 = arith.addf %add3A_384, %mul3A_389 : vector<16xf32>
      %broadcast_in_dim3A_391 = arith.constant 42 : i32
      %broadcast_in_dim3A_392 = vector.broadcast %broadcast_in_dim3A_391 : i32 to vector<16xi32>
      %gather3A_393 = tpu.vector_load_idx %arg9[%add3A_138, %broadcast_in_dim3A_392] : memref<512x56xf32, #tpu.memory_space<vmem>>[vector<16xi32>, vector<16xi32>], vector<16xf32>,
      %gather3A_394 = tpu.vector_load_idx %arg10[%add3A_138, %broadcast_in_dim3A_392] : memref<512x56xf32, #tpu.memory_space<vmem>>[vector<16xi32>, vector<16xi32>], vector<16xf32>,
      %mul3A_395 = arith.mulf %gather3A_393, %gather3A_394 : vector<16xf32>
      %add3A_396 = arith.addf %add3A_390, %mul3A_395 : vector<16xf32>
      %broadcast_in_dim3A_397 = arith.constant 43 : i32
      %broadcast_in_dim3A_398 = vector.broadcast %broadcast_in_dim3A_397 : i32 to vector<16xi32>
      %gather3A_399 = tpu.vector_load_idx %arg9[%add3A_138, %broadcast_in_dim3A_398] : memref<512x56xf32, #tpu.memory_space<vmem>>[vector<16xi32>, vector<16xi32>], vector<16xf32>,
      %gather3A_400 = tpu.vector_load_idx %arg10[%add3A_138, %broadcast_in_dim3A_398] : memref<512x56xf32, #tpu.memory_space<vmem>>[vector<16xi32>, vector<16xi32>], vector<16xf32>,
      %mul3A_401 = arith.mulf %gather3A_399, %gather3A_400 : vector<16xf32>
      %add3A_402 = arith.addf %add3A_396, %mul3A_401 : vector<16xf32>
      %broadcast_in_dim3A_403 = arith.constant 44 : i32
      %broadcast_in_dim3A_404 = vector.broadcast %broadcast_in_dim3A_403 : i32 to vector<16xi32>
      %gather3A_405 = tpu.vector_load_idx %arg9[%add3A_138, %broadcast_in_dim3A_404] : memref<512x56xf32, #tpu.memory_space<vmem>>[vector<16xi32>, vector<16xi32>], vector<16xf32>,
      %gather3A_406 = tpu.vector_load_idx %arg10[%add3A_138, %broadcast_in_dim3A_404] : memref<512x56xf32, #tpu.memory_space<vmem>>[vector<16xi32>, vector<16xi32>], vector<16xf32>,
      %mul3A_407 = arith.mulf %gather3A_405, %gather3A_406 : vector<16xf32>
      %add3A_408 = arith.addf %add3A_402, %mul3A_407 : vector<16xf32>
      %broadcast_in_dim3A_409 = arith.constant 45 : i32
      %broadcast_in_dim3A_410 = vector.broadcast %broadcast_in_dim3A_409 : i32 to vector<16xi32>
      %gather3A_411 = tpu.vector_load_idx %arg9[%add3A_138, %broadcast_in_dim3A_410] : memref<512x56xf32, #tpu.memory_space<vmem>>[vector<16xi32>, vector<16xi32>], vector<16xf32>,
      %gather3A_412 = tpu.vector_load_idx %arg10[%add3A_138, %broadcast_in_dim3A_410] : memref<512x56xf32, #tpu.memory_space<vmem>>[vector<16xi32>, vector<16xi32>], vector<16xf32>,
      %mul3A_413 = arith.mulf %gather3A_411, %gather3A_412 : vector<16xf32>
      %add3A_414 = arith.addf %add3A_408, %mul3A_413 : vector<16xf32>
      %broadcast_in_dim3A_415 = arith.constant 46 : i32
      %broadcast_in_dim3A_416 = vector.broadcast %broadcast_in_dim3A_415 : i32 to vector<16xi32>
      %gather3A_417 = tpu.vector_load_idx %arg9[%add3A_138, %broadcast_in_dim3A_416] : memref<512x56xf32, #tpu.memory_space<vmem>>[vector<16xi32>, vector<16xi32>], vector<16xf32>,
      %gather3A_418 = tpu.vector_load_idx %arg10[%add3A_138, %broadcast_in_dim3A_416] : memref<512x56xf32, #tpu.memory_space<vmem>>[vector<16xi32>, vector<16xi32>], vector<16xf32>,
      %mul3A_419 = arith.mulf %gather3A_417, %gather3A_418 : vector<16xf32>
      %add3A_420 = arith.addf %add3A_414, %mul3A_419 : vector<16xf32>
      %broadcast_in_dim3A_421 = arith.constant 47 : i32
      %broadcast_in_dim3A_422 = vector.broadcast %broadcast_in_dim3A_421 : i32 to vector<16xi32>
      %gather3A_423 = tpu.vector_load_idx %arg9[%add3A_138, %broadcast_in_dim3A_422] : memref<512x56xf32, #tpu.memory_space<vmem>>[vector<16xi32>, vector<16xi32>], vector<16xf32>,
      %gather3A_424 = tpu.vector_load_idx %arg10[%add3A_138, %broadcast_in_dim3A_422] : memref<512x56xf32, #tpu.memory_space<vmem>>[vector<16xi32>, vector<16xi32>], vector<16xf32>,
      %mul3A_425 = arith.mulf %gather3A_423, %gather3A_424 : vector<16xf32>
      %add3A_426 = arith.addf %add3A_420, %mul3A_425 : vector<16xf32>
      %broadcast_in_dim3A_427 = arith.constant 48 : i32
      %broadcast_in_dim3A_428 = vector.broadcast %broadcast_in_dim3A_427 : i32 to vector<16xi32>
      %gather3A_429 = tpu.vector_load_idx %arg9[%add3A_138, %broadcast_in_dim3A_428] : memref<512x56xf32, #tpu.memory_space<vmem>>[vector<16xi32>, vector<16xi32>], vector<16xf32>,
      %gather3A_430 = tpu.vector_load_idx %arg10[%add3A_138, %broadcast_in_dim3A_428] : memref<512x56xf32, #tpu.memory_space<vmem>>[vector<16xi32>, vector<16xi32>], vector<16xf32>,
      %mul3A_431 = arith.mulf %gather3A_429, %gather3A_430 : vector<16xf32>
      %add3A_432 = arith.addf %add3A_426, %mul3A_431 : vector<16xf32>
      %broadcast_in_dim3A_433 = arith.constant 49 : i32
      %broadcast_in_dim3A_434 = vector.broadcast %broadcast_in_dim3A_433 : i32 to vector<16xi32>
      %gather3A_435 = tpu.vector_load_idx %arg9[%add3A_138, %broadcast_in_dim3A_434] : memref<512x56xf32, #tpu.memory_space<vmem>>[vector<16xi32>, vector<16xi32>], vector<16xf32>,
      %gather3A_436 = tpu.vector_load_idx %arg10[%add3A_138, %broadcast_in_dim3A_434] : memref<512x56xf32, #tpu.memory_space<vmem>>[vector<16xi32>, vector<16xi32>], vector<16xf32>,
      %mul3A_437 = arith.mulf %gather3A_435, %gather3A_436 : vector<16xf32>
      %add3A_438 = arith.addf %add3A_432, %mul3A_437 : vector<16xf32>
      %mul3A_439 = arith.constant 16 : i32
      %mul3A_440 = arith.muli %scan3A_134, %mul3A_439 : i32
      %swap3A = arith.index_cast %mul3A_440 : i32 to index
      %swap3A_441 = tpu.vector_load %arg11[%swap3A] {strides = array<i32>} : memref<512xf32, #tpu.memory_space<vmem>>, vector<16xf32>,
      tpu.vector_store %arg11[%swap3A], %add3A_438 {strides = array<i32>} : memref<512xf32, #tpu.memory_space<vmem>>, vector<16xf32>,
    }
    %scan3A_133 = arith.constant 32 : i32
    "tpu.region"() ({
      %run_scoped3A = tpu.sem_alloc : memref<!tpu.dma_semaphore, #tpu.memory_space<semaphore_mem>>
      %dma_start3A_134 = tpu.memref_slice %arg6[%mul3A_2] : memref<16384xf32, #tpu.memory_space<hbm>> -> memref<512xf32, #tpu.memory_space<hbm>>
      %dma_start3A_135 = tpu.memref_slice %arg6[%mul3A_2] : memref<16384xf32, #tpu.memory_space<hbm>> -> memref<512xf32, #tpu.memory_space<hbm>>
      tpu.enqueue_dma source(%arg11 : memref<512xf32, #tpu.memory_space<vmem>>) target(%dma_start3A_135 : memref<512xf32, #tpu.memory_space<hbm>>) target_semaphore(%run_scoped3A : memref<!tpu.dma_semaphore, #tpu.memory_space<semaphore_mem>>)
      %dma_wait3A_136 = tpu.memref_slice %arg6[%mul3A_2] : memref<16384xf32, #tpu.memory_space<hbm>> -> memref<512xf32, #tpu.memory_space<hbm>>
      %dma_wait3A_137 = tpu.memref_slice %arg6[%mul3A_2] : memref<16384xf32, #tpu.memory_space<hbm>> -> memref<512xf32, #tpu.memory_space<hbm>>
      tpu.wait_dma2 semaphore(%run_scoped3A : memref<!tpu.dma_semaphore, #tpu.memory_space<semaphore_mem>>) src(%arg11 : memref<512xf32, #tpu.memory_space<vmem>>) dst(%dma_wait3A_137 : memref<512xf32, #tpu.memory_space<hbm>>)
      tpu.yield
    }) : () -> ()
    return
  }
}

</mosaic_0001>

<sc_bundles>
// kernel: kernel.3.cloned.1.call-start
scs
__scs_entry_jumppad:
0x0: {  	(pc) =	sbr.rel $0x88, $3  }
0x1: {  	(tag) =	ssettag $0x0;
	lr =	simm.s32 $0x1  }
0x2: {  	[smem:$0x3F9D] =	sst lr;
	_ =	strace $0xD0000000  }
0x3: {  	_ = 	snop  }
0x4: {  	_ = 	snop  }
0x5: {  	_ = 	snop  }
0x6: {  	_ = 	snop  }
0x7: {  	_ = 	snop  }
__scs_overlays_trampoline_lowered:
0x8: {  	[smem:$0x3FAC] =	sst s0  }
0x9: {  	[smem:$0x3FAD] =	sst s1  }
0xa: {  	[smem:$0x3FAE] =	sst s2  }
0xb: {  	[smem:$0x3FAF] =	sst s3  }
0xc: {  	[smem:$0x3FB0] =	sst s4  }
0xd: {  	[smem:$0x3FB1] =	sst s5  }
0xe: {  	[smem:$0x3FB2] =	sst s6  }
0xf: {  	[smem:$0x3FB3] =	sst s7  }
0x10: {  	[smem:$0x3FB4] =	sst s8  }
0x11: {  	[smem:$0x3FB5] =	sst s9;
	s0 =	simm.s32 @!p0 $0x0  }
0x12: {  	s1 =	sld [smem:$0x3F9B];
	s0 =	simm.s32 @p0 $0x1  }
0x13: {  	[smem:$0x3FB6] =	sst s0;
	s0 =	simm.s32 @!p1 $0x0  }
0x14: {  	s2 =	sld [smem:$0x3F9A];
	s0 =	simm.s32 @p1 $0x1  }
0x15: {  	[smem:$0x3FB7] =	sst s0;
	s0 =	simm.s32 @!p2 $0x0  }
0x16: {  	s3 =	sld [smem:$0x3FDB];
	s0 =	simm.s32 @p2 $0x1  }
0x17: {  	s4 =	simm.s32 $0x1BF5;
	[smem:$0x3FB9] =	sst s0  }
0x18: {  	s0 =	sld [smem:$0x3F9C];
	_ =	swait.ge [sflag:s4], $0x0  }
0x19: {  	s7 =	sld [smem:$0x3F9D]  }
0x1a: {  	s8 =	sadd.s32 $0xFFFFE003, lr  }
0x1b: {  	s9 =	sadd.s32 $0xFFFFFEF7, lr;
	s5 =	simm.s32 $0xFFFFFFFF;
	p2 =	slt.u32 s8, $0xFFFFF086  }
0x1c: {  	p1 =	slt.u32 s9, $0xF7A;
	s5 =	simm.s32 @!p2 $0x0  }
0x1d: {  	s5 =	simm.s32 @p1 $0x1;
	p0 =	seq.s32 s7, s2  }
0x1e: {  	s7 =	smul.u32 @!p0 $0xF7A, s2;
	p2 =	seq.s32 @!p0 s5, $0x0  }
0x1f: {  	s9 =	smul.u32 $0xF7A, s1;
	s8 =	simm.s32 @!p0 $0x1BF5;
	p2 =	por !p2, p0  }
0x20: {  	[sflag:s8] =	ssyncset.s32 @!p0 $0xFFFFF086;
	s6 =	sadd.s32 @!p0 s3, s7;
	s7 =	simm.s32 @!p0 $0x108  }
0x21: {  	s3 =	sadd.s32 s3, s9;
	s6 =	sadd.s32 @!p0 $0x88, s6;
	s7 =	simm.s32 @p2 $0x1082  }
0x22: {  	[simem:s7], [sflag:s8] =	dma.local @!p0 [hbm:s6], $0xF7A  }
0x23: {  	s9 =	sor.u32 $0xD0000000, s2;
	s6 =	simm.s32 $0x108;
	_ =	swait.ge @!p0 [sflag:s8], $0x0  }
0x24: {  	s3 =	sadd.s32 $0x88, s3;
	s6 =	simm.s32 @!p1 $0x1082;
	[sflag:s4] =	ssyncset.s32 $0xFFFFF086  }
0x25: {  	[simem:s6], [sflag:s4] =	dma.local [hbm:s3], $0xF7A  }
0x26: {  	[smem:$0x3F9D] =	sst s1;
	(tag) =	ssettag s2;
	_ =	strace s9  }
0x27: {  	s1 =	sld [smem:$0x3FAD]  }
0x28: {  	s2 =	sld [smem:$0x3FAE]  }
0x29: {  	s4 =	sld [smem:$0x3FB0]  }
0x2a: {  	p0 =	seq.s32 s5, $0x0;
	s5 =	sld [smem:$0x3FB1]  }
0x2b: {  	s6 =	sld [smem:$0x3FB2]  }
0x2c: {  	s7 =	sld [smem:$0x3FB3]  }
0x2d: {  	s3 =	simm.s32 $0x108;
	s8 =	sld [smem:$0x3FB4]  }
0x2e: {  	s3 =	simm.s32 @!p0 $0x1082;
	s9 =	sld [smem:$0x3FB5]  }
0x2f: {  	lr =	sadd.s32 s0, s3;
	s0 =	sld [smem:$0x3FAC]  }
0x30: {  	s3 =	sld [smem:$0x3FAF]  }
0x31: {  	[smem:$0x3FB8] =	sst s10  }
0x32: {  	s10 =	sld [smem:$0x3FB6];
	_ =	sdelay $0x3  }
0x33: {  	p0 =	seq.s32 s10, $0x1;
	s10 =	sld [smem:$0x3FB8];
	_ =	sdelay $0x3  }
0x34: {  	[smem:$0x3FB8] =	sst s10  }
0x35: {  	s10 =	sld [smem:$0x3FB7];
	_ =	sdelay $0x3  }
0x36: {  	p1 =	seq.s32 s10, $0x1;
	s10 =	sld [smem:$0x3FB8];
	_ =	sdelay $0x3  }
0x37: {  	[smem:$0x3FB8] =	sst s10  }
0x38: {  	s10 =	sld [smem:$0x3FB9]  }
0x39: {  	_ = 	snop;
	(pc) =	sbr.ind lr, $3  }
0x3a: {  	_ = 	snop  }
0x3b: {  	_ = 	snop  }
0x3c: {  	p2 =	seq.s32 s10, $0x1;
	s10 =	sld [smem:$0x3FB8]  }
0x3d: {  	_ =	shalt  }
0x3e: {  	_ =	shalt  }
0x3f: {  	_ =	shalt  }
0x40: {  	_ =	shalt  }
0x41: {  	_ =	shalt  }
0x42: {  	_ =	shalt  }
0x43: {  	_ =	shalt  }
0x44: {  	_ =	shalt  }
0x45: {  	_ =	shalt  }
0x46: {  	_ =	shalt  }
0x47: {  	_ =	shalt  }
0x48: {  	_ =	shalt  }
0x49: {  	_ =	shalt  }
0x4a: {  	_ =	shalt  }
0x4b: {  	_ =	shalt  }
0x4c: {  	_ =	shalt  }
0x4d: {  	_ =	shalt  }
0x4e: {  	_ =	shalt  }
0x4f: {  	_ =	shalt  }
0x50: {  	_ =	shalt  }
0x51: {  	_ =	shalt  }
0x52: {  	_ =	shalt  }
0x53: {  	_ =	shalt  }
0x54: {  	_ =	shalt  }
0x55: {  	_ =	shalt  }
0x56: {  	_ =	shalt  }
0x57: {  	_ =	shalt  }
0x58: {  	_ =	shalt  }
0x59: {  	_ =	shalt  }
0x5a: {  	_ =	shalt  }
0x5b: {  	_ =	shalt  }
0x5c: {  	_ =	shalt  }
0x5d: {  	_ =	shalt  }
0x5e: {  	_ =	shalt  }
0x5f: {  	_ =	shalt  }
0x60: {  	_ =	shalt  }
0x61: {  	_ =	shalt  }
0x62: {  	_ =	shalt  }
0x63: {  	_ =	shalt  }
0x64: {  	_ =	shalt  }
0x65: {  	_ =	shalt  }
0x66: {  	_ =	shalt  }
0x67: {  	_ =	shalt  }
0x68: {  	_ =	shalt  }
0x69: {  	_ =	shalt  }
0x6a: {  	_ =	shalt  }
0x6b: {  	_ =	shalt  }
0x6c: {  	_ =	shalt  }
0x6d: {  	_ =	shalt  }
0x6e: {  	_ =	shalt  }
0x6f: {  	_ =	shalt  }
0x70: {  	_ =	shalt  }
0x71: {  	_ =	shalt  }
0x72: {  	_ =	shalt  }
0x73: {  	_ =	shalt  }
0x74: {  	_ =	shalt  }
0x75: {  	_ =	shalt  }
0x76: {  	_ =	shalt  }
0x77: {  	_ =	shalt  }
0x78: {  	_ =	shalt  }
0x79: {  	_ =	shalt  }
0x7a: {  	_ =	shalt  }
0x7b: {  	_ =	shalt  }
0x7c: {  	_ =	shalt  }
0x7d: {  	_ =	shalt  }
0x7e: {  	_ =	shalt  }
0x7f: {  	_ =	shalt  }
0x80: {  	_ =	shalt  }
0x81: {  	_ =	shalt  }
0x82: {  	_ =	shalt  }
0x83: {  	_ =	shalt  }
0x84: {  	_ =	shalt  }
0x85: {  	_ =	shalt  }
0x86: {  	_ =	shalt  }
0x87: {  	_ =	shalt  }
.Lfunc_end0:
.L_simem_size_0:
called_computation_lowered:
.L_overlay_start_0:
0x88: {  	s2 =	sld [smem:$0x3FD9]  }
0x89: {  	s3 =	sld [smem:$0x3FFE];
	_ =	sdelay $0x1  }
0x8a: {  	s1 =	srdreg.scid  }
0x8b: {  	s0 =	sand.u32 $0x1, s1  }
0x8c: {  	s17 =	sshll.u32 s0, $0xA;
	s2 =	sadd.s32 s3, s2  }
0x8d: {  	s2 =	sadd.s32 s2, s17  }
0x8e: {  	[smem:$0x3FC4] =	sst s2  }
0x8f: {  	_ = 	snop  }
0x90: {  	s2 =	sld [smem:$0x3FC9]  }
0x91: {  	s18 =	sld [smem:$0x3FC8]  }
0x92: {  	s4 =	sld [smem:$0x3FD0];
	(tm) =	ssettm $0x1  }
0x93: {  	s5 =	sld [smem:$0x3FFB];
	_ =	sdelay $0x3  }
0x94: {  	_ =	strace s5  }
0x95: {  	s5 =	sld [smem:$0x3FFC];
	_ =	sdelay $0x3  }
0x96: {  	_ =	strace s5  }
0x97: {  	s5 =	sld [smem:$0x3FFD];
	_ =	sdelay $0x3  }
0x98: {  	_ =	strace s5  }
0x99: {  	_ =	strace $0x8FFFFFFF  }
0x9a: {  	s19 =	sld [smem:$0x3FDB];
	_ =	sdelay $0x1  }
0x9b: {  	s6 =	simm.s32 $_scs_section_size  }
0x9c: {  	s7 =	simm.s32 $_size__tile_overlayer_lowered;
	s8 =	simm.s32 $_tile_overlayer_lowered  }
0x9d: {  	s22 =	simm.s32 $0x1BFF;
	s21 =	sshll.u32 s8, $0x1;
	s5 =	sadd.s32 s6, s19  }
0x9e: {  	s9 =	simm.s32 $0x0;
	s20 =	sshll.u32 s7, $0x1;
	s7 =	sadd.s32 s21, s5  }
0x9f: {  	[timem:s9], [sflag:s22] =	dma.local [hbm:s7], s20  }
0xa0: {  	_ =	swait.ge [sflag:s22], s20  }
0xa1: {  	s6 =	ssub.s32 $0x0, s20;
	[sflag:s22] =	ssyncset.done $0x0  }
0xa2: {  	[sflag:s22] =	ssyncadd.s32 s6;
	_ =	sdelay $0x1  }
0xa3: {  	s23 =	simm.s32 $0x1B8B  }
0xa4: {  	_ =	swait.ge [sflag:s23], $0x1  }
0xa5: {  	[sflag:s23] =	ssyncset.done $0x0  }
0xa6: {  	s25 =	simm.s32 $0x1B8E;
	s24 =	sld [smem:$0x3FFE];
	[sflag:s23] =	ssyncadd.s32 $0xFFFFFFFF  }
0xa7: {  	s26 =	simm.s32 $execute0_lowered;
	[smem:$0x3FD2] =	sst s25  }
0xa8: {  	s7 =	sshll.u32 s26, $0x1;
	_ =	strace $0x80000046;
	[dreg:$0x1] =	wrdreg $0xFFFFFFFF  }
0xa9: {  	s28 =	simm.s32 $_size_execute0_lowered;
	s5 =	sadd.s32 s5, s7;
	[dreg:$0x0] =	wrdreg $0x0  }
0xaa: {  	s7 =	sshll.u32 s28, $0x1;
	[dreg:$0x2] =	wrdreg s5  }
0xab: {  	[dreg:$0x3] =	wrdreg s7  }
0xac: {  	[dreg:$0x4] =	wrdreg $0xC0  }
0xad: {  	_ =	task [dreg:s9], $0x5FFFF  }
0xae: {  	[dreg:$0x1] =	wrdreg $0xFFFFFFFF  }
0xaf: {  	[dreg:$0x0] =	wrdreg $0x60  }
0xb0: {  	[dreg:$0x2] =	wrdreg s2  }
0xb1: {  	[dreg:$0x3] =	wrdreg s18  }
0xb2: {  	[dreg:$0x4] =	wrdreg s24  }
0xb3: {  	[dreg:$0x5] =	wrdreg s4  }
0xb4: {  	[dreg:$0x6] =	wrdreg $0x9  }
0xb5: {  	_ =	task.clear_ibuf [dreg:s9], $0x7FFFF;
	_ =	strace $0x90000046  }
0xb6: {  	s29 =	simm.s32 $0x9;
	_ =	strace $0x80000048  }
0xb7: {  	_ =	swait.ge [sflag:s29], $0x1  }
0xb8: {  	[sflag:s29] =	ssyncadd.s32 $0xFFFFFFFF  }
0xb9: {  	_ =	strace $0x90000048  }
0xba: {  	_ =	sfence  }
0xbb: {  	s30 =	sld [smem:$0x0];
	_ =	sdelay $0x2  }
0xbc: {  	s31 =	sshll.u32 s1, $0xD;
	s1 =	sshrl.u32 s1, $0x2  }
0xbd: {  	s3 =	sand.u32 $0x4000, s31;
	s1 =	sadd.s32 s1, s30  }
0xbe: {  	s0 =	sor.u32 s3, s0;
	s1 =	sshll.u32 s1, $0x11  }
0xbf: {  	s0 =	sor.u32 s1, s0  }
0xc0: {  	s0 =	sadd.s32 $0x8F2B, s0  }
0xc1: {  	[sflag:s0] =	ssyncadd.remote.s32 $0x1  }
0xc2: {  	_ =	sfence.sel $0xFFFF  }
0xc3: {  	[dreg:$0x0] =	wrdreg $0xFFFFFFFF;
	(pc) =	sbr.abs _section_cstart, $3  }
0xc4: {  	[dreg:$0x1] =	wrdreg $0xFFFFFFFF  }
0xc5: {  	_ =	task.clear_ibuf [dreg:s9], $0x2FFFF;
	_ =	strace $0x9FFFFFFF  }
0xc6: {  	(tm) =	ssettm $0x7FFFFFFF  }
0xc7: {  	_ =	shalt  }
tec
execute0_lowered:
.L_overlay_start_1:
0x0: {  	(tag) =	ssettag $0x1  }
0x1: {  	v0 =	vlaneseq.u32  }
0x2: {  	v0 =	vmul.u32 $0x38, v0;
	_ =	sdelay $0x1  }
0x3: {  	s5 =	rddreg [dreg:$0x0];
	v1 =	vor.u32 $0x1, v0  }
0x4: {  	s6 =	rddreg [dreg:$0x1];
	v2 =	vor.u32 $0x2, v0;
	v3 =	vor.u32 $0x3, v0;
	v4 =	vor.u32 $0x4, v0  }
0x5: {  	s4 =	rddreg [dreg:$0x2];
	v5 =	vor.u32 $0x5, v0;
	v6 =	vor.u32 $0x6, v0;
	v7 =	vor.u32 $0x7, v0  }
0x6: {  	s7 =	rddreg [dreg:$0x3];
	v8 =	vadd.s32 $0x8, v0;
	v9 =	vadd.s32 $0x9, v0;
	v10 =	vadd.s32 $0xA, v0  }
0x7: {  	s0 =	rddreg [dreg:$0x4];
	s1 =	simm.s32 $0x0;
	v11 =	vadd.s32 $0xB, v0;
	v12 =	vadd.s32 $0xC, v0;
	v13 =	vadd.s32 $0xD, v0  }
0x8: {  	s8 =	srdreg.scid;
	s2 =	stileid.u32;
	s12 =	simm.s32 $0x400;
	v14 =	vadd.s32 $0xE, v0;
	v15 =	vadd.s32 $0xF, v0;
	v16 =	vadd.s32 $0x10, v0  }
0x9: {  	s13 =	simm.s32 $0x7400;
	s14 =	simm.s32 $0x2000;
	s15 =	simm.s32 $0x280;
	v17 =	vadd.s32 $0x11, v0;
	v18 =	vadd.s32 $0x12, v0;
	v19 =	vadd.s32 $0x13, v0  }
0xa: {  	s16 =	simm.s32 $0x9000;
	s17 =	simm.s32 $0x100;
	s18 =	simm.s32 $0x3C00;
	v20 =	vadd.s32 $0x14, v0;
	v21 =	vadd.s32 $0x15, v0;
	v22 =	vadd.s32 $0x16, v0  }
0xb: {  	s19 =	simm.s32 $0x300;
	s20 =	simm.s32 $0xAC00;
	s21 =	simm.s32 $0x180;
	v23 =	vadd.s32 $0x17, v0;
	v24 =	vadd.s32 $0x18, v0;
	v25 =	vadd.s32 $0x19, v0  }
0xc: {  	s22 =	simm.s32 $0x5800;
	s23 =	simm.s32 $0x380;
	s24 =	simm.s32 $0xC800;
	v26 =	vadd.s32 $0x1A, v0;
	v27 =	vadd.s32 $0x1B, v0;
	v28 =	vadd.s32 $0x1C, v0  }
0xd: {  	s25 =	simm.s32 $0x1;
	s26 =	simm.s32 $0xE400;
	s28 =	simm.s32 $0x0;
	v29 =	vadd.s32 $0x1D, v0;
	v30 =	vadd.s32 $0x1E, v0;
	v31 =	vadd.s32 $0x1F, v0  }
0xe: {  	[smem:$0x7FF] =	sst s1;
	s3 =	sadd.s32 $0x600, s4;
	s8 =	sand.u32 $0x1, s8;
	v32 =	vadd.s32 $0x20, v0;
	v33 =	vadd.s32 $0x21, v0;
	v34 =	vadd.s32 $0x22, v0  }
0xf: {  	s10 =	sshll.u32 s2, $0x7;
	s4 =	sadd.s32 $0x5A00, s4;
	s9 =	ssub.s32 $0x2, s8;
	v35 =	vadd.s32 $0x23, v0;
	v36 =	vadd.s32 $0x24, v0;
	v37 =	vadd.s32 $0x25, v0  }
0x10: {  	_ =	strace $0x80000047;
	s8 =	sshll.u32 s8, $0x6;
	s11 =	sshrl.u32 s9, $0x1;
	v38 =	vadd.s32 $0x26, v0;
	v39 =	vadd.s32 $0x27, v0;
	v40 =	vadd.s32 $0x28, v0  }
0x11: {  	s8 =	sor.u32 s8, s10;
	s10 =	simm.s32 $0x200;
	v41 =	vadd.s32 $0x29, v0;
	v42 =	vadd.s32 $0x2A, v0;
	v43 =	vadd.s32 $0x2B, v0;
	s9 =	ssub.s32 s9, s11  }
0x12: {  	v44 =	vadd.s32 $0x2C, v0;
	v45 =	vadd.s32 $0x2D, v0;
	v46 =	vadd.s32 $0x2E, v0;
	s5 =	sadd.s32 s5, s8;
	s6 =	sadd.s32 s6, s8;
	s7 =	sadd.s32 s7, s8  }
0x13: {  	v47 =	vadd.s32 $0x2F, v0;
	v48 =	vadd.s32 $0x30, v0;
	v49 =	vadd.s32 $0x31, v0;
	s11 =	simm.s32 $0x80;
	s8 =	smax.u32 s9, $0x1;
	s9 =	simm.s32 $0x2  }
.LBB2_1:
0x14: {  	[tilespmem:s1], [sflag:$0x2] =	stream.linear.gather [hbm4b:s5+s1], $0x200, $0x38;
	[tilespmem:$0xE600] =	vst v63  }
0x15: {  	_ =	swait.ge [sflag:s9], $0x200  }
0x16: {  	[sflag:s9] =	ssyncset.done $0x0  }
0x17: {  	[sflag:s9] =	ssyncadd.s32 $0xFFFFFE00  }
0x18: {  	[tilespmem:s10], [sflag:$0x2] =	stream.linear.gather [hbm4b:s6+s1], $0x200, $0x38;
	[tilespmem:$0xE600] =	vst v63  }
0x19: {  	_ =	swait.ge [sflag:s9], $0x200  }
0x1a: {  	[sflag:s9] =	ssyncset.done $0x0  }
0x1b: {  	[sflag:s9] =	ssyncadd.s32 $0xFFFFFE00  }
0x1c: {  	[tilespmem:s12], [sflag:$0x1] =	stream.indirect.gather [hbm4b:s3+s11], $0x38, s1, s11, $0xb8;
	[tilespmem:$0xE600] =	vst v63  }
0x1d: {  	_ = 	snop  }
0x1e: {  	[tilespmem:s13], [sflag:$0x1] =	stream.indirect.gather [hbm4b:s4+s11], $0x38, s10, s11, $0xb8;
	[tilespmem:$0xE600] =	vst v63  }
0x1f: {  	_ = 	snop  }
0x20: {  	[tilespmem:s14], [sflag:$0x1] =	stream.indirect.gather [hbm4b:s3+s11], $0x38, s11, s11, $0xb8;
	[tilespmem:$0xE600] =	vst v63  }
0x21: {  	_ = 	snop  }
0x22: {  	[tilespmem:s16], [sflag:$0x1] =	stream.indirect.gather [hbm4b:s4+s11], $0x38, s15, s11, $0xb8;
	[tilespmem:$0xE600] =	vst v63  }
0x23: {  	_ = 	snop  }
0x24: {  	[tilespmem:s18], [sflag:$0x1] =	stream.indirect.gather [hbm4b:s3+s11], $0x38, s17, s11, $0xb8;
	[tilespmem:$0xE600] =	vst v63  }
0x25: {  	_ = 	snop  }
0x26: {  	[tilespmem:s20], [sflag:$0x1] =	stream.indirect.gather [hbm4b:s4+s11], $0x38, s19, s11, $0xb8;
	[tilespmem:$0xE600] =	vst v63  }
0x27: {  	_ = 	snop  }
0x28: {  	[tilespmem:s22], [sflag:$0x1] =	stream.indirect.gather [hbm4b:s3+s11], $0x38, s21, s11, $0xb8;
	[tilespmem:$0xE600] =	vst v63  }
0x29: {  	_ = 	snop  }
0x2a: {  	[tilespmem:s24], [sflag:$0x1] =	stream.indirect.gather [hbm4b:s4+s11], $0x38, s23, s11, $0xb8;
	[tilespmem:$0xE600] =	vst v63  }
0x2b: {  	_ =	swait.ge [sflag:s25], $0x1C00  }
0x2c: {  	[sflag:s25] =	ssyncset.done $0x0  }
0x2d: {  	[sflag:s25] =	ssyncadd.s32 $0xFFFFE400  }
0x2e: {  	_ =	swait.ge [sflag:s25], $0x1C00  }
0x2f: {  	[sflag:s25] =	ssyncset.done $0x0  }
0x30: {  	[sflag:s25] =	ssyncadd.s32 $0xFFFFE400  }
0x31: {  	_ =	swait.ge [sflag:s25], $0x1C00  }
0x32: {  	[sflag:s25] =	ssyncset.done $0x0  }
0x33: {  	[sflag:s25] =	ssyncadd.s32 $0xFFFFE400  }
0x34: {  	_ =	swait.ge [sflag:s25], $0x1C00  }
0x35: {  	[sflag:s25] =	ssyncset.done $0x0  }
0x36: {  	[sflag:s25] =	ssyncadd.s32 $0xFFFFE400  }
0x37: {  	_ =	swait.ge [sflag:s25], $0x1C00  }
0x38: {  	[sflag:s25] =	ssyncset.done $0x0  }
0x39: {  	v50 =	vmov s1;
	[sflag:s25] =	ssyncadd.s32 $0xFFFFE400  }
0x3a: {  	v50 =	vmul.u32 $0x38, v50;
	_ =	swait.ge [sflag:s25], $0x1C00  }
0x3b: {  	[sflag:s25] =	ssyncset.done $0x0  }
0x3c: {  	v50 =	vbroadcast v50, $0x0;
	[sflag:s25] =	ssyncadd.s32 $0xFFFFE400  }
0x3d: {  	_ =	swait.ge [sflag:s25], $0x1C00  }
0x3e: {  	v51 =	vadd.s32 v0, v50;
	[sflag:s25] =	ssyncset.done $0x0  }
0x3f: {  	[sflag:s25] =	ssyncadd.s32 $0xFFFFE400  }
0x40: {  	v52 =	vadd.s32 v1, v50;
	_ =	swait.ge [sflag:s25], $0x1C00  }
0x41: {  	[sflag:s25] =	ssyncset.done $0x0  }
0x42: {  	v53 =	vadd.s32 v2, v50;
	[sflag:s25] =	ssyncadd.s32 $0xFFFFE400  }
0x43: {  	v54 =	vld.idx.msk [tilespmem:v51+s13+$0x0], $0xffff  }
0x44: {  	v55 =	vadd.s32 v3, v50;
	v51 =	vld.idx.msk [tilespmem:v51+s12+$0x0], $0xffff  }
0x45: {  	v56 =	vld.idx.msk [tilespmem:v52+s12+$0x0], $0xffff  }
0x46: {  	v57 =	vadd.s32 v4, v50;
	v52 =	vld.idx.msk [tilespmem:v52+s13+$0x0], $0xffff  }
0x47: {  	v58 =	vld.idx.msk [tilespmem:v53+s12+$0x0], $0xffff  }
0x48: {  	v59 =	vadd.s32 v5, v50;
	v53 =	vld.idx.msk [tilespmem:v53+s13+$0x0], $0xffff  }
0x49: {  	v60 =	vld.idx.msk [tilespmem:v55+s12+$0x0], $0xffff;
	v51 =	vmul.f32 v54, v51  }
0x4a: {  	v54 =	vld.idx.msk [tilespmem:v55+s13+$0x0], $0xffff;
	v55 =	vadd.s32 v6, v50  }
0x4b: {  	v61 =	vld.idx.msk [tilespmem:v57+s12+$0x0], $0xffff;
	v52 =	vmul.f32 v52, v56;
	v51 =	vadd.f32 $0.0e+00, v51  }
0x4c: {  	v56 =	vld.idx.msk [tilespmem:v57+s13+$0x0], $0xffff;
	v57 =	vadd.s32 v7, v50  }
0x4d: {  	v62 =	vld.idx.msk [tilespmem:v59+s12+$0x0], $0xffff;
	v63 =	vmul.f32 v53, v58;
	v51 =	vadd.f32 v52, v51  }
0x4e: {  	v53 =	vld.idx.msk [tilespmem:v59+s13+$0x0], $0xffff;
	v58 =	vadd.s32 v8, v50  }
0x4f: {  	v59 =	vld.idx.msk [tilespmem:v55+s12+$0x0], $0xffff;
	v52 =	vmul.f32 v54, v60;
	v51 =	vadd.f32 v63, v51  }
0x50: {  	v54 =	vld.idx.msk [tilespmem:v55+s13+$0x0], $0xffff;
	v55 =	vadd.s32 v9, v50  }
0x51: {  	v60 =	vld.idx.msk [tilespmem:v57+s12+$0x0], $0xffff;
	v51 =	vadd.f32 v52, v51;
	v52 =	vmul.f32 v56, v61  }
0x52: {  	v56 =	vld.idx.msk [tilespmem:v57+s13+$0x0], $0xffff;
	v57 =	vadd.s32 v10, v50  }
0x53: {  	v61 =	vld.idx.msk [tilespmem:v58+s12+$0x0], $0xffff;
	v51 =	vadd.f32 v52, v51;
	v52 =	vmul.f32 v53, v62  }
0x54: {  	v53 =	vld.idx.msk [tilespmem:v58+s13+$0x0], $0xffff;
	v58 =	vadd.s32 v11, v50  }
0x55: {  	v62 =	vld.idx.msk [tilespmem:v55+s12+$0x0], $0xffff;
	v63 =	vmul.f32 v54, v59;
	v51 =	vadd.f32 v52, v51  }
0x56: {  	v54 =	vld.idx.msk [tilespmem:v55+s13+$0x0], $0xffff;
	v55 =	vadd.s32 v12, v50  }
0x57: {  	v59 =	vld.idx.msk [tilespmem:v57+s12+$0x0], $0xffff;
	v52 =	vmul.f32 v56, v60;
	v51 =	vadd.f32 v63, v51  }
0x58: {  	v56 =	vld.idx.msk [tilespmem:v57+s13+$0x0], $0xffff;
	v57 =	vadd.s32 v13, v50  }
0x59: {  	v60 =	vld.idx.msk [tilespmem:v58+s12+$0x0], $0xffff;
	v51 =	vadd.f32 v52, v51;
	v52 =	vmul.f32 v53, v61  }
0x5a: {  	v53 =	vld.idx.msk [tilespmem:v58+s13+$0x0], $0xffff;
	v58 =	vadd.s32 v14, v50  }
0x5b: {  	v61 =	vld.idx.msk [tilespmem:v55+s12+$0x0], $0xffff;
	v51 =	vadd.f32 v52, v51;
	v52 =	vmul.f32 v54, v62  }
0x5c: {  	v54 =	vld.idx.msk [tilespmem:v55+s13+$0x0], $0xffff;
	v55 =	vadd.s32 v15, v50  }
0x5d: {  	v62 =	vld.idx.msk [tilespmem:v57+s12+$0x0], $0xffff;
	v63 =	vmul.f32 v56, v59;
	v51 =	vadd.f32 v52, v51  }
0x5e: {  	v56 =	vld.idx.msk [tilespmem:v57+s13+$0x0], $0xffff;
	v57 =	vadd.s32 v16, v50  }
0x5f: {  	v59 =	vld.idx.msk [tilespmem:v58+s12+$0x0], $0xffff;
	v52 =	vmul.f32 v53, v60;
	v51 =	vadd.f32 v63, v51  }
0x60: {  	v53 =	vld.idx.msk [tilespmem:v58+s13+$0x0], $0xffff;
	v58 =	vadd.s32 v17, v50  }
0x61: {  	v60 =	vld.idx.msk [tilespmem:v55+s12+$0x0], $0xffff;
	v51 =	vadd.f32 v52, v51;
	v52 =	vmul.f32 v54, v61  }
0x62: {  	v54 =	vld.idx.msk [tilespmem:v55+s13+$0x0], $0xffff;
	v55 =	vadd.s32 v18, v50  }
0x63: {  	v61 =	vld.idx.msk [tilespmem:v57+s12+$0x0], $0xffff;
	v51 =	vadd.f32 v52, v51;
	v52 =	vmul.f32 v56, v62  }
0x64: {  	v56 =	vld.idx.msk [tilespmem:v57+s13+$0x0], $0xffff;
	v57 =	vadd.s32 v19, v50  }
0x65: {  	v62 =	vld.idx.msk [tilespmem:v58+s12+$0x0], $0xffff;
	v63 =	vmul.f32 v53, v59;
	v51 =	vadd.f32 v52, v51  }
0x66: {  	v53 =	vld.idx.msk [tilespmem:v58+s13+$0x0], $0xffff;
	v58 =	vadd.s32 v20, v50  }
0x67: {  	v59 =	vld.idx.msk [tilespmem:v55+s12+$0x0], $0xffff;
	v52 =	vmul.f32 v54, v60;
	v51 =	vadd.f32 v63, v51  }
0x68: {  	v54 =	vld.idx.msk [tilespmem:v55+s13+$0x0], $0xffff;
	v55 =	vadd.s32 v21, v50  }
0x69: {  	v60 =	vld.idx.msk [tilespmem:v57+s12+$0x0], $0xffff;
	v51 =	vadd.f32 v52, v51;
	v52 =	vmul.f32 v56, v61  }
0x6a: {  	v56 =	vld.idx.msk [tilespmem:v57+s13+$0x0], $0xffff;
	v57 =	vadd.s32 v22, v50  }
0x6b: {  	v61 =	vld.idx.msk [tilespmem:v58+s12+$0x0], $0xffff;
	v51 =	vadd.f32 v52, v51;
	v52 =	vmul.f32 v53, v62  }
0x6c: {  	v53 =	vld.idx.msk [tilespmem:v58+s13+$0x0], $0xffff;
	v58 =	vadd.s32 v23, v50  }
0x6d: {  	v62 =	vld.idx.msk [tilespmem:v55+s12+$0x0], $0xffff;
	v63 =	vmul.f32 v54, v59;
	v51 =	vadd.f32 v52, v51  }
0x6e: {  	v54 =	vld.idx.msk [tilespmem:v55+s13+$0x0], $0xffff;
	v55 =	vadd.s32 v24, v50  }
0x6f: {  	v59 =	vld.idx.msk [tilespmem:v57+s12+$0x0], $0xffff;
	v52 =	vmul.f32 v56, v60;
	v51 =	vadd.f32 v63, v51  }
0x70: {  	v56 =	vld.idx.msk [tilespmem:v57+s13+$0x0], $0xffff;
	v57 =	vadd.s32 v25, v50  }
0x71: {  	v60 =	vld.idx.msk [tilespmem:v58+s12+$0x0], $0xffff;
	v51 =	vadd.f32 v52, v51;
	v52 =	vmul.f32 v53, v61  }
0x72: {  	v53 =	vld.idx.msk [tilespmem:v58+s13+$0x0], $0xffff;
	v58 =	vadd.s32 v26, v50  }
0x73: {  	v61 =	vld.idx.msk [tilespmem:v55+s12+$0x0], $0xffff;
	v51 =	vadd.f32 v52, v51;
	v52 =	vmul.f32 v54, v62  }
0x74: {  	v54 =	vld.idx.msk [tilespmem:v55+s13+$0x0], $0xffff;
	v55 =	vadd.s32 v27, v50  }
0x75: {  	v62 =	vld.idx.msk [tilespmem:v57+s12+$0x0], $0xffff;
	v63 =	vmul.f32 v56, v59;
	v51 =	vadd.f32 v52, v51  }
0x76: {  	v56 =	vld.idx.msk [tilespmem:v57+s13+$0x0], $0xffff;
	v57 =	vadd.s32 v28, v50  }
0x77: {  	v59 =	vld.idx.msk [tilespmem:v58+s12+$0x0], $0xffff;
	v52 =	vmul.f32 v53, v60;
	v51 =	vadd.f32 v63, v51  }
0x78: {  	v53 =	vld.idx.msk [tilespmem:v58+s13+$0x0], $0xffff;
	v58 =	vadd.s32 v29, v50  }
0x79: {  	v60 =	vld.idx.msk [tilespmem:v55+s12+$0x0], $0xffff;
	v51 =	vadd.f32 v52, v51;
	v52 =	vmul.f32 v54, v61  }
0x7a: {  	v54 =	vld.idx.msk [tilespmem:v55+s13+$0x0], $0xffff;
	v55 =	vadd.s32 v30, v50  }
0x7b: {  	v61 =	vld.idx.msk [tilespmem:v57+s12+$0x0], $0xffff;
	v51 =	vadd.f32 v52, v51;
	v52 =	vmul.f32 v56, v62  }
0x7c: {  	v56 =	vld.idx.msk [tilespmem:v57+s13+$0x0], $0xffff;
	v57 =	vadd.s32 v31, v50  }
0x7d: {  	v62 =	vld.idx.msk [tilespmem:v58+s12+$0x0], $0xffff;
	v63 =	vmul.f32 v53, v59;
	v51 =	vadd.f32 v52, v51  }
0x7e: {  	v53 =	vld.idx.msk [tilespmem:v58+s13+$0x0], $0xffff;
	v58 =	vadd.s32 v32, v50  }
0x7f: {  	v59 =	vld.idx.msk [tilespmem:v55+s12+$0x0], $0xffff;
	v52 =	vmul.f32 v54, v60;
	v51 =	vadd.f32 v63, v51  }
0x80: {  	v54 =	vld.idx.msk [tilespmem:v55+s13+$0x0], $0xffff;
	v55 =	vadd.s32 v33, v50  }
0x81: {  	v60 =	vld.idx.msk [tilespmem:v57+s12+$0x0], $0xffff;
	v51 =	vadd.f32 v52, v51;
	v52 =	vmul.f32 v56, v61  }
0x82: {  	v56 =	vld.idx.msk [tilespmem:v57+s13+$0x0], $0xffff;
	v57 =	vadd.s32 v34, v50  }
0x83: {  	v61 =	vld.idx.msk [tilespmem:v58+s12+$0x0], $0xffff;
	v51 =	vadd.f32 v52, v51;
	v52 =	vmul.f32 v53, v62  }
0x84: {  	v53 =	vld.idx.msk [tilespmem:v58+s13+$0x0], $0xffff;
	v58 =	vadd.s32 v35, v50  }
0x85: {  	v62 =	vld.idx.msk [tilespmem:v55+s12+$0x0], $0xffff;
	v63 =	vmul.f32 v54, v59;
	v51 =	vadd.f32 v52, v51  }
0x86: {  	v54 =	vld.idx.msk [tilespmem:v55+s13+$0x0], $0xffff;
	v55 =	vadd.s32 v36, v50  }
0x87: {  	v59 =	vld.idx.msk [tilespmem:v57+s12+$0x0], $0xffff;
	v52 =	vmul.f32 v56, v60;
	v51 =	vadd.f32 v63, v51  }
0x88: {  	v56 =	vld.idx.msk [tilespmem:v57+s13+$0x0], $0xffff;
	v57 =	vadd.s32 v37, v50  }
0x89: {  	v60 =	vld.idx.msk [tilespmem:v58+s12+$0x0], $0xffff;
	v51 =	vadd.f32 v52, v51;
	v52 =	vmul.f32 v53, v61  }
0x8a: {  	v53 =	vld.idx.msk [tilespmem:v58+s13+$0x0], $0xffff;
	v58 =	vadd.s32 v38, v50  }
0x8b: {  	v61 =	vld.idx.msk [tilespmem:v55+s12+$0x0], $0xffff;
	v51 =	vadd.f32 v52, v51;
	v52 =	vmul.f32 v54, v62  }
0x8c: {  	v54 =	vld.idx.msk [tilespmem:v55+s13+$0x0], $0xffff;
	v55 =	vadd.s32 v39, v50  }
0x8d: {  	v62 =	vld.idx.msk [tilespmem:v57+s12+$0x0], $0xffff;
	v63 =	vmul.f32 v56, v59;
	v51 =	vadd.f32 v52, v51  }
0x8e: {  	v56 =	vld.idx.msk [tilespmem:v57+s13+$0x0], $0xffff;
	v57 =	vadd.s32 v40, v50  }
0x8f: {  	v59 =	vld.idx.msk [tilespmem:v58+s12+$0x0], $0xffff;
	v52 =	vmul.f32 v53, v60;
	v51 =	vadd.f32 v63, v51  }
0x90: {  	v53 =	vld.idx.msk [tilespmem:v58+s13+$0x0], $0xffff;
	v58 =	vadd.s32 v41, v50  }
0x91: {  	v60 =	vld.idx.msk [tilespmem:v55+s12+$0x0], $0xffff;
	v51 =	vadd.f32 v52, v51;
	v52 =	vmul.f32 v54, v61  }
0x92: {  	v54 =	vld.idx.msk [tilespmem:v55+s13+$0x0], $0xffff;
	v55 =	vadd.s32 v42, v50  }
0x93: {  	v61 =	vld.idx.msk [tilespmem:v57+s12+$0x0], $0xffff;
	v51 =	vadd.f32 v52, v51;
	v52 =	vmul.f32 v56, v62  }
0x94: {  	v56 =	vld.idx.msk [tilespmem:v57+s13+$0x0], $0xffff;
	v57 =	vadd.s32 v43, v50  }
0x95: {  	v62 =	vld.idx.msk [tilespmem:v58+s12+$0x0], $0xffff;
	v63 =	vmul.f32 v53, v59;
	v51 =	vadd.f32 v52, v51  }
0x96: {  	v53 =	vld.idx.msk [tilespmem:v58+s13+$0x0], $0xffff;
	v58 =	vadd.s32 v44, v50  }
0x97: {  	v59 =	vld.idx.msk [tilespmem:v55+s12+$0x0], $0xffff;
	v52 =	vmul.f32 v54, v60;
	v51 =	vadd.f32 v63, v51  }
0x98: {  	v54 =	vld.idx.msk [tilespmem:v55+s13+$0x0], $0xffff;
	v55 =	vadd.s32 v45, v50  }
0x99: {  	v60 =	vld.idx.msk [tilespmem:v57+s12+$0x0], $0xffff;
	v51 =	vadd.f32 v52, v51;
	v52 =	vmul.f32 v56, v61  }
0x9a: {  	v56 =	vld.idx.msk [tilespmem:v57+s13+$0x0], $0xffff;
	v57 =	vadd.s32 v46, v50  }
0x9b: {  	v61 =	vld.idx.msk [tilespmem:v58+s12+$0x0], $0xffff;
	v51 =	vadd.f32 v52, v51;
	v52 =	vmul.f32 v53, v62  }
0x9c: {  	v53 =	vld.idx.msk [tilespmem:v58+s13+$0x0], $0xffff;
	v58 =	vadd.s32 v47, v50  }
0x9d: {  	v62 =	vld.idx.msk [tilespmem:v55+s12+$0x0], $0xffff;
	v51 =	vadd.f32 v52, v51;
	v52 =	vmul.f32 v54, v59  }
0x9e: {  	v63 =	vld.idx.msk [tilespmem:v55+s13+$0x0], $0xffff;
	v55 =	vadd.s32 v48, v50  }
0x9f: {  	v59 =	vld.idx.msk [tilespmem:v57+s12+$0x0], $0xffff;
	v60 =	vmul.f32 v56, v60;
	v51 =	vadd.f32 v52, v51  }
0xa0: {  	v50 =	vadd.s32 v49, v50;
	v56 =	vld.idx.msk [tilespmem:v57+s13+$0x0], $0xffff  }
0xa1: {  	v57 =	vld.idx.msk [tilespmem:v58+s12+$0x0], $0xffff;
	v61 =	vmul.f32 v53, v61;
	v51 =	vadd.f32 v60, v51  }
0xa2: {  	v53 =	vld.idx.msk [tilespmem:v58+s13+$0x0], $0xffff  }
0xa3: {  	v58 =	vld.idx.msk [tilespmem:v55+s12+$0x0], $0xffff;
	v63 =	vmul.f32 v63, v62;
	v51 =	vadd.f32 v61, v51  }
0xa4: {  	v54 =	vld.idx.msk [tilespmem:v55+s13+$0x0], $0xffff  }
0xa5: {  	s29 =	simm.s32 $0x10;
	v62 =	vld.idx.msk [tilespmem:v50+s13+$0x0], $0xffff;
	v61 =	vmul.f32 v56, v59;
	v51 =	vadd.f32 v63, v51  }
0xa6: {  	v60 =	vld.idx.msk [tilespmem:v50+s12+$0x0], $0xffff;
	v63 =	vmov s29  }
0xa7: {  	v57 =	vmul.f32 v53, v57;
	v50 =	vmul.u32 $0x38, v63;
	v51 =	vadd.f32 v61, v51;
	_ =	sdelay $0x1  }
0xa8: {  	v58 =	vmul.f32 v54, v58;
	v50 =	vbroadcast v50, $0x0;
	v51 =	vadd.f32 v57, v51;
	_ =	sdelay $0x1  }
0xa9: {  	v60 =	vmul.f32 v62, v60;
	v59 =	vadd.s32 v0, v50;
	v51 =	vadd.f32 v58, v51;
	_ =	sdelay $0x1  }
0xaa: {  	v61 =	vadd.s32 v1, v50;
	v51 =	vadd.f32 v60, v51;
	_ =	sdelay $0x1  }
0xab: {  	v62 =	vadd.s32 v2, v50;
	[tilespmem:s26+$0x0] =	vst v51  }
0xac: {  	v51 =	vld.idx.msk [tilespmem:v59+s13+$0x0], $0xffff  }
0xad: {  	v55 =	vadd.s32 v3, v50;
	v53 =	vld.idx.msk [tilespmem:v59+s12+$0x0], $0xffff  }
0xae: {  	v56 =	vld.idx.msk [tilespmem:v61+s12+$0x0], $0xffff  }
0xaf: {  	v57 =	vadd.s32 v4, v50;
	v54 =	vld.idx.msk [tilespmem:v61+s13+$0x0], $0xffff  }
0xb0: {  	v58 =	vld.idx.msk [tilespmem:v62+s12+$0x0], $0xffff  }
0xb1: {  	v52 =	vld.idx.msk [tilespmem:v62+s13+$0x0], $0xffff;
	v59 =	vadd.s32 v5, v50  }
0xb2: {  	v60 =	vld.idx.msk [tilespmem:v55+s12+$0x0], $0xffff;
	v51 =	vmul.f32 v51, v53  }
0xb3: {  	v53 =	vld.idx.msk [tilespmem:v55+s13+$0x0], $0xffff;
	v55 =	vadd.s32 v6, v50  }
0xb4: {  	v61 =	vld.idx.msk [tilespmem:v57+s12+$0x0], $0xffff;
	v54 =	vmul.f32 v54, v56;
	v51 =	vadd.f32 $0.0e+00, v51  }
0xb5: {  	v56 =	vld.idx.msk [tilespmem:v57+s13+$0x0], $0xffff;
	v57 =	vadd.s32 v7, v50  }
0xb6: {  	v62 =	vld.idx.msk [tilespmem:v59+s12+$0x0], $0xffff;
	v52 =	vmul.f32 v52, v58;
	v51 =	vadd.f32 v54, v51  }
0xb7: {  	v58 =	vadd.s32 v8, v50;
	v54 =	vld.idx.msk [tilespmem:v59+s13+$0x0], $0xffff  }
0xb8: {  	v59 =	vld.idx.msk [tilespmem:v55+s12+$0x0], $0xffff;
	v51 =	vadd.f32 v52, v51;
	v52 =	vmul.f32 v53, v60  }
0xb9: {  	v53 =	vld.idx.msk [tilespmem:v55+s13+$0x0], $0xffff;
	v55 =	vadd.s32 v9, v50  }
0xba: {  	v60 =	vld.idx.msk [tilespmem:v57+s12+$0x0], $0xffff;
	v51 =	vadd.f32 v52, v51;
	v52 =	vmul.f32 v56, v61  }
0xbb: {  	v56 =	vld.idx.msk [tilespmem:v57+s13+$0x0], $0xffff;
	v57 =	vadd.s32 v10, v50  }
0xbc: {  	v61 =	vld.idx.msk [tilespmem:v58+s12+$0x0], $0xffff;
	v51 =	vadd.f32 v52, v51;
	v52 =	vmul.f32 v54, v62  }
0xbd: {  	v54 =	vld.idx.msk [tilespmem:v58+s13+$0x0], $0xffff;
	v58 =	vadd.s32 v11, v50  }
0xbe: {  	v62 =	vld.idx.msk [tilespmem:v55+s12+$0x0], $0xffff;
	v63 =	vmul.f32 v53, v59;
	v51 =	vadd.f32 v52, v51  }
0xbf: {  	v53 =	vld.idx.msk [tilespmem:v55+s13+$0x0], $0xffff;
	v55 =	vadd.s32 v12, v50  }
0xc0: {  	v59 =	vld.idx.msk [tilespmem:v57+s12+$0x0], $0xffff;
	v52 =	vmul.f32 v56, v60;
	v51 =	vadd.f32 v63, v51  }
0xc1: {  	v56 =	vld.idx.msk [tilespmem:v57+s13+$0x0], $0xffff;
	v57 =	vadd.s32 v13, v50  }
0xc2: {  	v60 =	vld.idx.msk [tilespmem:v58+s12+$0x0], $0xffff;
	v51 =	vadd.f32 v52, v51;
	v52 =	vmul.f32 v54, v61  }
0xc3: {  	v54 =	vld.idx.msk [tilespmem:v58+s13+$0x0], $0xffff;
	v58 =	vadd.s32 v14, v50  }
0xc4: {  	v61 =	vld.idx.msk [tilespmem:v55+s12+$0x0], $0xffff;
	v51 =	vadd.f32 v52, v51;
	v52 =	vmul.f32 v53, v62  }
0xc5: {  	v53 =	vld.idx.msk [tilespmem:v55+s13+$0x0], $0xffff;
	v55 =	vadd.s32 v15, v50  }
0xc6: {  	v62 =	vld.idx.msk [tilespmem:v57+s12+$0x0], $0xffff;
	v63 =	vmul.f32 v56, v59;
	v51 =	vadd.f32 v52, v51  }
0xc7: {  	v56 =	vld.idx.msk [tilespmem:v57+s13+$0x0], $0xffff;
	v57 =	vadd.s32 v16, v50  }
0xc8: {  	v59 =	vld.idx.msk [tilespmem:v58+s12+$0x0], $0xffff;
	v52 =	vmul.f32 v54, v60;
	v51 =	vadd.f32 v63, v51  }
0xc9: {  	v54 =	vld.idx.msk [tilespmem:v58+s13+$0x0], $0xffff;
	v58 =	vadd.s32 v17, v50  }
0xca: {  	v60 =	vld.idx.msk [tilespmem:v55+s12+$0x0], $0xffff;
	v51 =	vadd.f32 v52, v51;
	v52 =	vmul.f32 v53, v61  }
0xcb: {  	v53 =	vld.idx.msk [tilespmem:v55+s13+$0x0], $0xffff;
	v55 =	vadd.s32 v18, v50  }
0xcc: {  	v61 =	vld.idx.msk [tilespmem:v57+s12+$0x0], $0xffff;
	v51 =	vadd.f32 v52, v51;
	v52 =	vmul.f32 v56, v62  }
0xcd: {  	v56 =	vld.idx.msk [tilespmem:v57+s13+$0x0], $0xffff;
	v57 =	vadd.s32 v19, v50  }
0xce: {  	v62 =	vld.idx.msk [tilespmem:v58+s12+$0x0], $0xffff;
	v63 =	vmul.f32 v54, v59;
	v51 =	vadd.f32 v52, v51  }
0xcf: {  	v54 =	vld.idx.msk [tilespmem:v58+s13+$0x0], $0xffff;
	v58 =	vadd.s32 v20, v50  }
0xd0: {  	v59 =	vld.idx.msk [tilespmem:v55+s12+$0x0], $0xffff;
	v52 =	vmul.f32 v53, v60;
	v51 =	vadd.f32 v63, v51  }
0xd1: {  	v53 =	vld.idx.msk [tilespmem:v55+s13+$0x0], $0xffff;
	v55 =	vadd.s32 v21, v50  }
0xd2: {  	v60 =	vld.idx.msk [tilespmem:v57+s12+$0x0], $0xffff;
	v51 =	vadd.f32 v52, v51;
	v52 =	vmul.f32 v56, v61  }
0xd3: {  	v56 =	vld.idx.msk [tilespmem:v57+s13+$0x0], $0xffff;
	v57 =	vadd.s32 v22, v50  }
0xd4: {  	v61 =	vld.idx.msk [tilespmem:v58+s12+$0x0], $0xffff;
	v51 =	vadd.f32 v52, v51;
	v52 =	vmul.f32 v54, v62  }
0xd5: {  	v54 =	vld.idx.msk [tilespmem:v58+s13+$0x0], $0xffff;
	v58 =	vadd.s32 v23, v50  }
0xd6: {  	v62 =	vld.idx.msk [tilespmem:v55+s12+$0x0], $0xffff;
	v63 =	vmul.f32 v53, v59;
	v51 =	vadd.f32 v52, v51  }
0xd7: {  	v53 =	vld.idx.msk [tilespmem:v55+s13+$0x0], $0xffff;
	v55 =	vadd.s32 v24, v50  }
0xd8: {  	v59 =	vld.idx.msk [tilespmem:v57+s12+$0x0], $0xffff;
	v52 =	vmul.f32 v56, v60;
	v51 =	vadd.f32 v63, v51  }
0xd9: {  	v56 =	vld.idx.msk [tilespmem:v57+s13+$0x0], $0xffff;
	v57 =	vadd.s32 v25, v50  }
0xda: {  	v60 =	vld.idx.msk [tilespmem:v58+s12+$0x0], $0xffff;
	v51 =	vadd.f32 v52, v51;
	v52 =	vmul.f32 v54, v61  }
0xdb: {  	v54 =	vld.idx.msk [tilespmem:v58+s13+$0x0], $0xffff;
	v58 =	vadd.s32 v26, v50  }
0xdc: {  	v61 =	vld.idx.msk [tilespmem:v55+s12+$0x0], $0xffff;
	v51 =	vadd.f32 v52, v51;
	v52 =	vmul.f32 v53, v62  }
0xdd: {  	v53 =	vld.idx.msk [tilespmem:v55+s13+$0x0], $0xffff;
	v55 =	vadd.s32 v27, v50  }
0xde: {  	v62 =	vld.idx.msk [tilespmem:v57+s12+$0x0], $0xffff;
	v63 =	vmul.f32 v56, v59;
	v51 =	vadd.f32 v52, v51  }
0xdf: {  	v56 =	vld.idx.msk [tilespmem:v57+s13+$0x0], $0xffff;
	v57 =	vadd.s32 v28, v50  }
0xe0: {  	v59 =	vld.idx.msk [tilespmem:v58+s12+$0x0], $0xffff;
	v52 =	vmul.f32 v54, v60;
	v51 =	vadd.f32 v63, v51  }
0xe1: {  	v54 =	vld.idx.msk [tilespmem:v58+s13+$0x0], $0xffff;
	v58 =	vadd.s32 v29, v50  }
0xe2: {  	v60 =	vld.idx.msk [tilespmem:v55+s12+$0x0], $0xffff;
	v51 =	vadd.f32 v52, v51;
	v52 =	vmul.f32 v53, v61  }
0xe3: {  	v53 =	vld.idx.msk [tilespmem:v55+s13+$0x0], $0xffff;
	v55 =	vadd.s32 v30, v50  }
0xe4: {  	v61 =	vld.idx.msk [tilespmem:v57+s12+$0x0], $0xffff;
	v51 =	vadd.f32 v52, v51;
	v52 =	vmul.f32 v56, v62  }
0xe5: {  	v56 =	vld.idx.msk [tilespmem:v57+s13+$0x0], $0xffff;
	v57 =	vadd.s32 v31, v50  }
0xe6: {  	v62 =	vld.idx.msk [tilespmem:v58+s12+$0x0], $0xffff;
	v63 =	vmul.f32 v54, v59;
	v51 =	vadd.f32 v52, v51  }
0xe7: {  	v54 =	vld.idx.msk [tilespmem:v58+s13+$0x0], $0xffff;
	v58 =	vadd.s32 v32, v50  }
0xe8: {  	v59 =	vld.idx.msk [tilespmem:v55+s12+$0x0], $0xffff;
	v52 =	vmul.f32 v53, v60;
	v51 =	vadd.f32 v63, v51  }
0xe9: {  	v53 =	vld.idx.msk [tilespmem:v55+s13+$0x0], $0xffff;
	v55 =	vadd.s32 v33, v50  }
0xea: {  	v60 =	vld.idx.msk [tilespmem:v57+s12+$0x0], $0xffff;
	v51 =	vadd.f32 v52, v51;
	v52 =	vmul.f32 v56, v61  }
0xeb: {  	v56 =	vld.idx.msk [tilespmem:v57+s13+$0x0], $0xffff;
	v57 =	vadd.s32 v34, v50  }
0xec: {  	v61 =	vld.idx.msk [tilespmem:v58+s12+$0x0], $0xffff;
	v51 =	vadd.f32 v52, v51;
	v52 =	vmul.f32 v54, v62  }
0xed: {  	v54 =	vld.idx.msk [tilespmem:v58+s13+$0x0], $0xffff;
	v58 =	vadd.s32 v35, v50  }
0xee: {  	v62 =	vld.idx.msk [tilespmem:v55+s12+$0x0], $0xffff;
	v63 =	vmul.f32 v53, v59;
	v51 =	vadd.f32 v52, v51  }
0xef: {  	v53 =	vld.idx.msk [tilespmem:v55+s13+$0x0], $0xffff;
	v55 =	vadd.s32 v36, v50  }
0xf0: {  	v59 =	vld.idx.msk [tilespmem:v57+s12+$0x0], $0xffff;
	v52 =	vmul.f32 v56, v60;
	v51 =	vadd.f32 v63, v51  }
0xf1: {  	v56 =	vld.idx.msk [tilespmem:v57+s13+$0x0], $0xffff;
	v57 =	vadd.s32 v37, v50  }
0xf2: {  	v60 =	vld.idx.msk [tilespmem:v58+s12+$0x0], $0xffff;
	v51 =	vadd.f32 v52, v51;
	v52 =	vmul.f32 v54, v61  }
0xf3: {  	v54 =	vld.idx.msk [tilespmem:v58+s13+$0x0], $0xffff;
	v58 =	vadd.s32 v38, v50  }
0xf4: {  	v61 =	vld.idx.msk [tilespmem:v55+s12+$0x0], $0xffff;
	v51 =	vadd.f32 v52, v51;
	v52 =	vmul.f32 v53, v62  }
0xf5: {  	v53 =	vld.idx.msk [tilespmem:v55+s13+$0x0], $0xffff;
	v55 =	vadd.s32 v39, v50  }
0xf6: {  	v62 =	vld.idx.msk [tilespmem:v57+s12+$0x0], $0xffff;
	v63 =	vmul.f32 v56, v59;
	v51 =	vadd.f32 v52, v51  }
0xf7: {  	v56 =	vld.idx.msk [tilespmem:v57+s13+$0x0], $0xffff;
	v57 =	vadd.s32 v40, v50  }
0xf8: {  	v59 =	vld.idx.msk [tilespmem:v58+s12+$0x0], $0xffff;
	v52 =	vmul.f32 v54, v60;
	v51 =	vadd.f32 v63, v51  }
0xf9: {  	v54 =	vld.idx.msk [tilespmem:v58+s13+$0x0], $0xffff;
	v58 =	vadd.s32 v41, v50  }
0xfa: {  	v60 =	vld.idx.msk [tilespmem:v55+s12+$0x0], $0xffff;
	v51 =	vadd.f32 v52, v51;
	v52 =	vmul.f32 v53, v61  }
0xfb: {  	v53 =	vld.idx.msk [tilespmem:v55+s13+$0x0], $0xffff;
	v55 =	vadd.s32 v42, v50  }
0xfc: {  	v61 =	vld.idx.msk [tilespmem:v57+s12+$0x0], $0xffff;
	v51 =	vadd.f32 v52, v51;
	v52 =	vmul.f32 v56, v62  }
0xfd: {  	v56 =	vld.idx.msk [tilespmem:v57+s13+$0x0], $0xffff;
	v57 =	vadd.s32 v43, v50  }
0xfe: {  	v62 =	vld.idx.msk [tilespmem:v58+s12+$0x0], $0xffff;
	v63 =	vmul.f32 v54, v59;
	v51 =	vadd.f32 v52, v51  }
0xff: {  	v54 =	vld.idx.msk [tilespmem:v58+s13+$0x0], $0xffff;
	v58 =	vadd.s32 v44, v50  }
0x100: {  	v59 =	vld.idx.msk [tilespmem:v55+s12+$0x0], $0xffff;
	v52 =	vmul.f32 v53, v60;
	v51 =	vadd.f32 v63, v51  }
0x101: {  	v53 =	vld.idx.msk [tilespmem:v55+s13+$0x0], $0xffff;
	v55 =	vadd.s32 v45, v50  }
0x102: {  	v60 =	vld.idx.msk [tilespmem:v57+s12+$0x0], $0xffff;
	v51 =	vadd.f32 v52, v51;
	v52 =	vmul.f32 v56, v61  }
0x103: {  	v56 =	vld.idx.msk [tilespmem:v57+s13+$0x0], $0xffff;
	v57 =	vadd.s32 v46, v50  }
0x104: {  	v61 =	vld.idx.msk [tilespmem:v58+s12+$0x0], $0xffff;
	v51 =	vadd.f32 v52, v51;
	v52 =	vmul.f32 v54, v62  }
0x105: {  	v54 =	vld.idx.msk [tilespmem:v58+s13+$0x0], $0xffff;
	v58 =	vadd.s32 v47, v50  }
0x106: {  	v62 =	vld.idx.msk [tilespmem:v55+s12+$0x0], $0xffff;
	v63 =	vmul.f32 v53, v59;
	v51 =	vadd.f32 v52, v51  }
0x107: {  	v53 =	vld.idx.msk [tilespmem:v55+s13+$0x0], $0xffff;
	v55 =	vadd.s32 v48, v50  }
0x108: {  	v59 =	vld.idx.msk [tilespmem:v57+s12+$0x0], $0xffff;
	v60 =	vmul.f32 v56, v60;
	v51 =	vadd.f32 v63, v51  }
0x109: {  	v50 =	vadd.s32 v49, v50;
	v63 =	vld.idx.msk [tilespmem:v57+s13+$0x0], $0xffff  }
0x10a: {  	v57 =	vld.idx.msk [tilespmem:v58+s12+$0x0], $0xffff;
	v51 =	vadd.f32 v60, v51;
	v60 =	vmul.f32 v54, v61  }
0x10b: {  	v58 =	vld.idx.msk [tilespmem:v58+s13+$0x0], $0xffff  }
0x10c: {  	v61 =	vmul.f32 v53, v62;
	v53 =	vld.idx.msk [tilespmem:v55+s13+$0x0], $0xffff;
	v52 =	vadd.f32 v60, v51  }
0x10d: {  	v51 =	vld.idx.msk [tilespmem:v55+s12+$0x0], $0xffff  }
0x10e: {  	s29 =	simm.s32 $0x20;
	v54 =	vld.idx.msk [tilespmem:v50+s13+$0x0], $0xffff;
	v56 =	vmul.f32 v63, v59;
	v62 =	vadd.f32 v61, v52  }
0x10f: {  	v63 =	vmov s29;
	v52 =	vld.idx.msk [tilespmem:v50+s12+$0x0], $0xffff  }
0x110: {  	s30 =	simm.s32 $0x30;
	s29 =	simm.s32 $0xE400;
	v50 =	vmul.u32 $0x38, v63;
	v55 =	vadd.f32 v56, v62;
	v56 =	vmul.f32 v58, v57  }
.LBB2_2:
0x111: {  	p0 =	sne.s32 s30, $0x1F0  }
0x112: {  	v51 =	vmul.f32 v53, v51;
	v50 =	vbroadcast v50, $0x0;
	v55 =	vadd.f32 v56, v55;
	_ =	sdelay $0x1  }
0x113: {  	v52 =	vmul.f32 v54, v52;
	v53 =	vadd.s32 v0, v50;
	v51 =	vadd.f32 v51, v55;
	_ =	sdelay $0x1  }
0x114: {  	v54 =	vadd.s32 v1, v50;
	v51 =	vadd.f32 v52, v51  }
0x115: {  	s29 =	sadd.s32 $0x10, s29  }
0x116: {  	v52 =	vadd.s32 v2, v50;
	[tilespmem:s29+$0x0] =	vst v51  }
0x117: {  	v51 =	vld.idx.msk [tilespmem:v53+s13+$0x0], $0xffff  }
0x118: {  	v55 =	vadd.s32 v3, v50;
	v53 =	vld.idx.msk [tilespmem:v53+s12+$0x0], $0xffff  }
0x119: {  	v56 =	vld.idx.msk [tilespmem:v54+s12+$0x0], $0xffff  }
0x11a: {  	v57 =	vadd.s32 v4, v50;
	v54 =	vld.idx.msk [tilespmem:v54+s13+$0x0], $0xffff  }
0x11b: {  	v58 =	vld.idx.msk [tilespmem:v52+s12+$0x0], $0xffff  }
0x11c: {  	v59 =	vadd.s32 v5, v50;
	v52 =	vld.idx.msk [tilespmem:v52+s13+$0x0], $0xffff  }
0x11d: {  	v60 =	vld.idx.msk [tilespmem:v55+s12+$0x0], $0xffff  }
0x11e: {  	v51 =	vmul.f32 v51, v53;
	v53 =	vld.idx.msk [tilespmem:v55+s13+$0x0], $0xffff;
	v55 =	vadd.s32 v6, v50  }
0x11f: {  	v61 =	vld.idx.msk [tilespmem:v57+s12+$0x0], $0xffff  }
0x120: {  	v51 =	vadd.f32 $0.0e+00, v51;
	v54 =	vmul.f32 v54, v56;
	v56 =	vld.idx.msk [tilespmem:v57+s13+$0x0], $0xffff;
	v57 =	vadd.s32 v7, v50  }
0x121: {  	v62 =	vld.idx.msk [tilespmem:v59+s12+$0x0], $0xffff  }
0x122: {  	v51 =	vadd.f32 v54, v51;
	v52 =	vmul.f32 v52, v58;
	v58 =	vadd.s32 v8, v50;
	v54 =	vld.idx.msk [tilespmem:v59+s13+$0x0], $0xffff  }
0x123: {  	v59 =	vld.idx.msk [tilespmem:v55+s12+$0x0], $0xffff  }
0x124: {  	v51 =	vadd.f32 v52, v51;
	v52 =	vmul.f32 v53, v60;
	v53 =	vld.idx.msk [tilespmem:v55+s13+$0x0], $0xffff;
	v55 =	vadd.s32 v9, v50  }
0x125: {  	v60 =	vld.idx.msk [tilespmem:v57+s12+$0x0], $0xffff  }
0x126: {  	v51 =	vadd.f32 v52, v51;
	v52 =	vmul.f32 v56, v61;
	v56 =	vld.idx.msk [tilespmem:v57+s13+$0x0], $0xffff;
	v57 =	vadd.s32 v10, v50  }
0x127: {  	v61 =	vld.idx.msk [tilespmem:v58+s12+$0x0], $0xffff  }
0x128: {  	v51 =	vadd.f32 v52, v51;
	v52 =	vmul.f32 v54, v62;
	v54 =	vld.idx.msk [tilespmem:v58+s13+$0x0], $0xffff;
	v58 =	vadd.s32 v11, v50  }
0x129: {  	v62 =	vld.idx.msk [tilespmem:v55+s12+$0x0], $0xffff  }
0x12a: {  	v51 =	vadd.f32 v52, v51;
	v52 =	vmul.f32 v53, v59;
	v53 =	vld.idx.msk [tilespmem:v55+s13+$0x0], $0xffff;
	v55 =	vadd.s32 v12, v50  }
0x12b: {  	v59 =	vld.idx.msk [tilespmem:v57+s12+$0x0], $0xffff  }
0x12c: {  	v51 =	vadd.f32 v52, v51;
	v52 =	vmul.f32 v56, v60;
	v56 =	vld.idx.msk [tilespmem:v57+s13+$0x0], $0xffff;
	v57 =	vadd.s32 v13, v50  }
0x12d: {  	v60 =	vld.idx.msk [tilespmem:v58+s12+$0x0], $0xffff  }
0x12e: {  	v51 =	vadd.f32 v52, v51;
	v52 =	vmul.f32 v54, v61;
	v54 =	vld.idx.msk [tilespmem:v58+s13+$0x0], $0xffff;
	v58 =	vadd.s32 v14, v50  }
0x12f: {  	v61 =	vld.idx.msk [tilespmem:v55+s12+$0x0], $0xffff  }
0x130: {  	v51 =	vadd.f32 v52, v51;
	v52 =	vmul.f32 v53, v62;
	v53 =	vld.idx.msk [tilespmem:v55+s13+$0x0], $0xffff;
	v55 =	vadd.s32 v15, v50  }
0x131: {  	v62 =	vld.idx.msk [tilespmem:v57+s12+$0x0], $0xffff  }
0x132: {  	v51 =	vadd.f32 v52, v51;
	v52 =	vmul.f32 v56, v59;
	v56 =	vld.idx.msk [tilespmem:v57+s13+$0x0], $0xffff;
	v57 =	vadd.s32 v16, v50  }
0x133: {  	v59 =	vld.idx.msk [tilespmem:v58+s12+$0x0], $0xffff  }
0x134: {  	v51 =	vadd.f32 v52, v51;
	v52 =	vmul.f32 v54, v60;
	v54 =	vld.idx.msk [tilespmem:v58+s13+$0x0], $0xffff;
	v58 =	vadd.s32 v17, v50  }
0x135: {  	v60 =	vld.idx.msk [tilespmem:v55+s12+$0x0], $0xffff  }
0x136: {  	v51 =	vadd.f32 v52, v51;
	v52 =	vmul.f32 v53, v61;
	v53 =	vld.idx.msk [tilespmem:v55+s13+$0x0], $0xffff;
	v55 =	vadd.s32 v18, v50  }
0x137: {  	v61 =	vld.idx.msk [tilespmem:v57+s12+$0x0], $0xffff  }
0x138: {  	v51 =	vadd.f32 v52, v51;
	v52 =	vmul.f32 v56, v62;
	v56 =	vld.idx.msk [tilespmem:v57+s13+$0x0], $0xffff;
	v57 =	vadd.s32 v19, v50  }
0x139: {  	v62 =	vld.idx.msk [tilespmem:v58+s12+$0x0], $0xffff  }
0x13a: {  	v51 =	vadd.f32 v52, v51;
	v52 =	vmul.f32 v54, v59;
	v54 =	vld.idx.msk [tilespmem:v58+s13+$0x0], $0xffff;
	v58 =	vadd.s32 v20, v50  }
0x13b: {  	v59 =	vld.idx.msk [tilespmem:v55+s12+$0x0], $0xffff  }
0x13c: {  	v51 =	vadd.f32 v52, v51;
	v52 =	vmul.f32 v53, v60;
	v53 =	vld.idx.msk [tilespmem:v55+s13+$0x0], $0xffff;
	v55 =	vadd.s32 v21, v50  }
0x13d: {  	v60 =	vld.idx.msk [tilespmem:v57+s12+$0x0], $0xffff  }
0x13e: {  	v51 =	vadd.f32 v52, v51;
	v52 =	vmul.f32 v56, v61;
	v56 =	vld.idx.msk [tilespmem:v57+s13+$0x0], $0xffff;
	v57 =	vadd.s32 v22, v50  }
0x13f: {  	v61 =	vld.idx.msk [tilespmem:v58+s12+$0x0], $0xffff  }
0x140: {  	v51 =	vadd.f32 v52, v51;
	v52 =	vmul.f32 v54, v62;
	v54 =	vld.idx.msk [tilespmem:v58+s13+$0x0], $0xffff;
	v58 =	vadd.s32 v23, v50  }
0x141: {  	v62 =	vld.idx.msk [tilespmem:v55+s12+$0x0], $0xffff  }
0x142: {  	v51 =	vadd.f32 v52, v51;
	v52 =	vmul.f32 v53, v59;
	v53 =	vld.idx.msk [tilespmem:v55+s13+$0x0], $0xffff;
	v55 =	vadd.s32 v24, v50  }
0x143: {  	v59 =	vld.idx.msk [tilespmem:v57+s12+$0x0], $0xffff  }
0x144: {  	v51 =	vadd.f32 v52, v51;
	v52 =	vmul.f32 v56, v60;
	v56 =	vld.idx.msk [tilespmem:v57+s13+$0x0], $0xffff;
	v57 =	vadd.s32 v25, v50  }
0x145: {  	v60 =	vld.idx.msk [tilespmem:v58+s12+$0x0], $0xffff  }
0x146: {  	v51 =	vadd.f32 v52, v51;
	v52 =	vmul.f32 v54, v61;
	v54 =	vld.idx.msk [tilespmem:v58+s13+$0x0], $0xffff;
	v58 =	vadd.s32 v26, v50  }
0x147: {  	v61 =	vld.idx.msk [tilespmem:v55+s12+$0x0], $0xffff  }
0x148: {  	v51 =	vadd.f32 v52, v51;
	v52 =	vmul.f32 v53, v62;
	v53 =	vld.idx.msk [tilespmem:v55+s13+$0x0], $0xffff;
	v55 =	vadd.s32 v27, v50  }
0x149: {  	v62 =	vld.idx.msk [tilespmem:v57+s12+$0x0], $0xffff  }
0x14a: {  	v51 =	vadd.f32 v52, v51;
	v52 =	vmul.f32 v56, v59;
	v56 =	vld.idx.msk [tilespmem:v57+s13+$0x0], $0xffff;
	v57 =	vadd.s32 v28, v50  }
0x14b: {  	v59 =	vld.idx.msk [tilespmem:v58+s12+$0x0], $0xffff  }
0x14c: {  	v51 =	vadd.f32 v52, v51;
	v52 =	vmul.f32 v54, v60;
	v54 =	vld.idx.msk [tilespmem:v58+s13+$0x0], $0xffff;
	v58 =	vadd.s32 v29, v50  }
0x14d: {  	v60 =	vld.idx.msk [tilespmem:v55+s12+$0x0], $0xffff  }
0x14e: {  	v51 =	vadd.f32 v52, v51;
	v52 =	vmul.f32 v53, v61;
	v53 =	vld.idx.msk [tilespmem:v55+s13+$0x0], $0xffff;
	v55 =	vadd.s32 v30, v50  }
0x14f: {  	v61 =	vld.idx.msk [tilespmem:v57+s12+$0x0], $0xffff  }
0x150: {  	v51 =	vadd.f32 v52, v51;
	v52 =	vmul.f32 v56, v62;
	v56 =	vld.idx.msk [tilespmem:v57+s13+$0x0], $0xffff;
	v57 =	vadd.s32 v31, v50  }
0x151: {  	v62 =	vld.idx.msk [tilespmem:v58+s12+$0x0], $0xffff  }
0x152: {  	v51 =	vadd.f32 v52, v51;
	v52 =	vmul.f32 v54, v59;
	v54 =	vld.idx.msk [tilespmem:v58+s13+$0x0], $0xffff;
	v58 =	vadd.s32 v32, v50  }
0x153: {  	v59 =	vld.idx.msk [tilespmem:v55+s12+$0x0], $0xffff  }
0x154: {  	v51 =	vadd.f32 v52, v51;
	v52 =	vmul.f32 v53, v60;
	v53 =	vld.idx.msk [tilespmem:v55+s13+$0x0], $0xffff;
	v55 =	vadd.s32 v33, v50  }
0x155: {  	v60 =	vld.idx.msk [tilespmem:v57+s12+$0x0], $0xffff  }
0x156: {  	v51 =	vadd.f32 v52, v51;
	v52 =	vmul.f32 v56, v61;
	v56 =	vld.idx.msk [tilespmem:v57+s13+$0x0], $0xffff;
	v57 =	vadd.s32 v34, v50  }
0x157: {  	v61 =	vld.idx.msk [tilespmem:v58+s12+$0x0], $0xffff  }
0x158: {  	v51 =	vadd.f32 v52, v51;
	v52 =	vmul.f32 v54, v62;
	v54 =	vld.idx.msk [tilespmem:v58+s13+$0x0], $0xffff;
	v58 =	vadd.s32 v35, v50  }
0x159: {  	v62 =	vld.idx.msk [tilespmem:v55+s12+$0x0], $0xffff  }
0x15a: {  	v51 =	vadd.f32 v52, v51;
	v52 =	vmul.f32 v53, v59;
	v53 =	vld.idx.msk [tilespmem:v55+s13+$0x0], $0xffff;
	v55 =	vadd.s32 v36, v50  }
0x15b: {  	v59 =	vld.idx.msk [tilespmem:v57+s12+$0x0], $0xffff  }
0x15c: {  	v51 =	vadd.f32 v52, v51;
	v52 =	vmul.f32 v56, v60;
	v56 =	vld.idx.msk [tilespmem:v57+s13+$0x0], $0xffff;
	v57 =	vadd.s32 v37, v50  }
0x15d: {  	v60 =	vld.idx.msk [tilespmem:v58+s12+$0x0], $0xffff  }
0x15e: {  	v51 =	vadd.f32 v52, v51;
	v52 =	vmul.f32 v54, v61;
	v54 =	vld.idx.msk [tilespmem:v58+s13+$0x0], $0xffff;
	v58 =	vadd.s32 v38, v50  }
0x15f: {  	v61 =	vld.idx.msk [tilespmem:v55+s12+$0x0], $0xffff  }
0x160: {  	v51 =	vadd.f32 v52, v51;
	v52 =	vmul.f32 v53, v62;
	v53 =	vld.idx.msk [tilespmem:v55+s13+$0x0], $0xffff;
	v55 =	vadd.s32 v39, v50  }
0x161: {  	v62 =	vld.idx.msk [tilespmem:v57+s12+$0x0], $0xffff  }
0x162: {  	v51 =	vadd.f32 v52, v51;
	v52 =	vmul.f32 v56, v59;
	v56 =	vld.idx.msk [tilespmem:v57+s13+$0x0], $0xffff;
	v57 =	vadd.s32 v40, v50  }
0x163: {  	v59 =	vld.idx.msk [tilespmem:v58+s12+$0x0], $0xffff  }
0x164: {  	v51 =	vadd.f32 v52, v51;
	v52 =	vmul.f32 v54, v60;
	v54 =	vld.idx.msk [tilespmem:v58+s13+$0x0], $0xffff;
	v58 =	vadd.s32 v41, v50  }
0x165: {  	v60 =	vld.idx.msk [tilespmem:v55+s12+$0x0], $0xffff  }
0x166: {  	v51 =	vadd.f32 v52, v51;
	v52 =	vmul.f32 v53, v61;
	v53 =	vld.idx.msk [tilespmem:v55+s13+$0x0], $0xffff;
	v55 =	vadd.s32 v42, v50  }
0x167: {  	v61 =	vld.idx.msk [tilespmem:v57+s12+$0x0], $0xffff  }
0x168: {  	v51 =	vadd.f32 v52, v51;
	v52 =	vmul.f32 v56, v62;
	v56 =	vld.idx.msk [tilespmem:v57+s13+$0x0], $0xffff;
	v57 =	vadd.s32 v43, v50  }
0x169: {  	v62 =	vld.idx.msk [tilespmem:v58+s12+$0x0], $0xffff  }
0x16a: {  	v51 =	vadd.f32 v52, v51;
	v52 =	vmul.f32 v54, v59;
	v54 =	vld.idx.msk [tilespmem:v58+s13+$0x0], $0xffff;
	v58 =	vadd.s32 v44, v50  }
0x16b: {  	v59 =	vld.idx.msk [tilespmem:v55+s12+$0x0], $0xffff  }
0x16c: {  	v51 =	vadd.f32 v52, v51;
	v52 =	vmul.f32 v53, v60;
	v53 =	vld.idx.msk [tilespmem:v55+s13+$0x0], $0xffff;
	v55 =	vadd.s32 v45, v50  }
0x16d: {  	v60 =	vld.idx.msk [tilespmem:v57+s12+$0x0], $0xffff  }
0x16e: {  	v51 =	vadd.f32 v52, v51;
	v52 =	vmul.f32 v56, v61;
	v56 =	vld.idx.msk [tilespmem:v57+s13+$0x0], $0xffff;
	v57 =	vadd.s32 v46, v50  }
0x16f: {  	v61 =	vld.idx.msk [tilespmem:v58+s12+$0x0], $0xffff  }
0x170: {  	v51 =	vadd.f32 v52, v51;
	v52 =	vmul.f32 v54, v62;
	v54 =	vld.idx.msk [tilespmem:v58+s13+$0x0], $0xffff;
	v58 =	vadd.s32 v47, v50  }
0x171: {  	v62 =	vld.idx.msk [tilespmem:v55+s12+$0x0], $0xffff  }
0x172: {  	v51 =	vadd.f32 v52, v51;
	v52 =	vmul.f32 v53, v59;
	v53 =	vld.idx.msk [tilespmem:v55+s13+$0x0], $0xffff;
	v55 =	vadd.s32 v48, v50  }
0x173: {  	v59 =	vld.idx.msk [tilespmem:v57+s12+$0x0], $0xffff  }
0x174: {  	v50 =	vadd.s32 v49, v50;
	v51 =	vadd.f32 v52, v51;
	v52 =	vmul.f32 v56, v60;
	v56 =	vld.idx.msk [tilespmem:v57+s13+$0x0], $0xffff  }
0x175: {  	v57 =	vld.idx.msk [tilespmem:v58+s12+$0x0], $0xffff  }
0x176: {  	v52 =	vadd.f32 v52, v51;
	v54 =	vmul.f32 v54, v61;
	v58 =	vld.idx.msk [tilespmem:v58+s13+$0x0], $0xffff  }
0x177: {  	v51 =	vld.idx.msk [tilespmem:v55+s12+$0x0], $0xffff  }
.Ltmp0:
0x178: {  	v54 =	vadd.f32 v54, v52;
	v60 =	vmul.f32 v53, v62;
	v53 =	vld.idx.msk [tilespmem:v55+s13+$0x0], $0xffff;
	(pc) =	sbr.rel @p0 .LBB2_2-.Ltmp0, $4  }
0x179: {  	v52 =	vld.idx.msk [tilespmem:v50+s12+$0x0], $0xffff  }
0x17a: {  	v55 =	vadd.f32 v60, v54;
	v56 =	vmul.f32 v56, v59;
	v54 =	vld.idx.msk [tilespmem:v50+s13+$0x0], $0xffff  }
0x17b: {  	v50 =	vmov s30  }
0x17c: {  	s30 =	sadd.s32 $0x10, s30;
	v50 =	vmul.u32 $0x38, v50;
	v55 =	vadd.f32 v56, v55;
	v56 =	vmul.f32 v58, v57  }
0x17d: {  	_ = 	snop  }
0x17e: {  	v51 =	vmul.f32 v53, v51;
	v50 =	vbroadcast v50, $0x0;
	v55 =	vadd.f32 v56, v55;
	_ =	sdelay $0x1  }
0x17f: {  	v52 =	vmul.f32 v54, v52;
	v60 =	vadd.s32 v0, v50;
	v51 =	vadd.f32 v51, v55;
	_ =	sdelay $0x1  }
0x180: {  	v61 =	vadd.s32 v1, v50;
	v51 =	vadd.f32 v52, v51  }
0x181: {  	s29 =	sadd.s32 $0x10, s29  }
0x182: {  	v62 =	vadd.s32 v2, v50;
	[tilespmem:s29+$0x0] =	vst v51  }
0x183: {  	v51 =	vld.idx.msk [tilespmem:v60+s13+$0x0], $0xffff  }
0x184: {  	v55 =	vadd.s32 v3, v50;
	v53 =	vld.idx.msk [tilespmem:v60+s12+$0x0], $0xffff  }
0x185: {  	v56 =	vld.idx.msk [tilespmem:v61+s12+$0x0], $0xffff  }
0x186: {  	v57 =	vadd.s32 v4, v50;
	v54 =	vld.idx.msk [tilespmem:v61+s13+$0x0], $0xffff  }
0x187: {  	v58 =	vld.idx.msk [tilespmem:v62+s12+$0x0], $0xffff  }
0x188: {  	v59 =	vadd.s32 v5, v50;
	v52 =	vld.idx.msk [tilespmem:v62+s13+$0x0], $0xffff  }
0x189: {  	v60 =	vld.idx.msk [tilespmem:v55+s12+$0x0], $0xffff;
	v51 =	vmul.f32 v51, v53  }
0x18a: {  	v53 =	vld.idx.msk [tilespmem:v55+s13+$0x0], $0xffff;
	v55 =	vadd.s32 v6, v50  }
0x18b: {  	v61 =	vld.idx.msk [tilespmem:v57+s12+$0x0], $0xffff;
	v54 =	vmul.f32 v54, v56;
	v51 =	vadd.f32 $0.0e+00, v51  }
0x18c: {  	v56 =	vld.idx.msk [tilespmem:v57+s13+$0x0], $0xffff;
	v57 =	vadd.s32 v7, v50  }
0x18d: {  	v62 =	vld.idx.msk [tilespmem:v59+s12+$0x0], $0xffff;
	v52 =	vmul.f32 v52, v58;
	v51 =	vadd.f32 v54, v51  }
0x18e: {  	v58 =	vadd.s32 v8, v50;
	v54 =	vld.idx.msk [tilespmem:v59+s13+$0x0], $0xffff  }
0x18f: {  	v59 =	vld.idx.msk [tilespmem:v55+s12+$0x0], $0xffff;
	v51 =	vadd.f32 v52, v51;
	v52 =	vmul.f32 v53, v60  }
0x190: {  	v53 =	vld.idx.msk [tilespmem:v55+s13+$0x0], $0xffff;
	v55 =	vadd.s32 v9, v50  }
0x191: {  	v60 =	vld.idx.msk [tilespmem:v57+s12+$0x0], $0xffff;
	v51 =	vadd.f32 v52, v51;
	v52 =	vmul.f32 v56, v61  }
0x192: {  	v56 =	vld.idx.msk [tilespmem:v57+s13+$0x0], $0xffff;
	v57 =	vadd.s32 v10, v50  }
0x193: {  	v61 =	vld.idx.msk [tilespmem:v58+s12+$0x0], $0xffff;
	v51 =	vadd.f32 v52, v51;
	v52 =	vmul.f32 v54, v62  }
0x194: {  	v54 =	vld.idx.msk [tilespmem:v58+s13+$0x0], $0xffff;
	v58 =	vadd.s32 v11, v50  }
0x195: {  	v62 =	vld.idx.msk [tilespmem:v55+s12+$0x0], $0xffff;
	v63 =	vmul.f32 v53, v59;
	v51 =	vadd.f32 v52, v51  }
0x196: {  	v53 =	vld.idx.msk [tilespmem:v55+s13+$0x0], $0xffff;
	v55 =	vadd.s32 v12, v50  }
0x197: {  	v59 =	vld.idx.msk [tilespmem:v57+s12+$0x0], $0xffff;
	v52 =	vmul.f32 v56, v60;
	v51 =	vadd.f32 v63, v51  }
0x198: {  	v56 =	vld.idx.msk [tilespmem:v57+s13+$0x0], $0xffff;
	v57 =	vadd.s32 v13, v50  }
0x199: {  	v60 =	vld.idx.msk [tilespmem:v58+s12+$0x0], $0xffff;
	v51 =	vadd.f32 v52, v51;
	v52 =	vmul.f32 v54, v61  }
0x19a: {  	v54 =	vld.idx.msk [tilespmem:v58+s13+$0x0], $0xffff;
	v58 =	vadd.s32 v14, v50  }
0x19b: {  	v61 =	vld.idx.msk [tilespmem:v55+s12+$0x0], $0xffff;
	v51 =	vadd.f32 v52, v51;
	v52 =	vmul.f32 v53, v62  }
0x19c: {  	v53 =	vld.idx.msk [tilespmem:v55+s13+$0x0], $0xffff;
	v55 =	vadd.s32 v15, v50  }
0x19d: {  	v62 =	vld.idx.msk [tilespmem:v57+s12+$0x0], $0xffff;
	v63 =	vmul.f32 v56, v59;
	v51 =	vadd.f32 v52, v51  }
0x19e: {  	v56 =	vld.idx.msk [tilespmem:v57+s13+$0x0], $0xffff;
	v57 =	vadd.s32 v16, v50  }
0x19f: {  	v59 =	vld.idx.msk [tilespmem:v58+s12+$0x0], $0xffff;
	v52 =	vmul.f32 v54, v60;
	v51 =	vadd.f32 v63, v51  }
0x1a0: {  	v54 =	vld.idx.msk [tilespmem:v58+s13+$0x0], $0xffff;
	v58 =	vadd.s32 v17, v50  }
0x1a1: {  	v60 =	vld.idx.msk [tilespmem:v55+s12+$0x0], $0xffff;
	v51 =	vadd.f32 v52, v51;
	v52 =	vmul.f32 v53, v61  }
0x1a2: {  	v53 =	vld.idx.msk [tilespmem:v55+s13+$0x0], $0xffff;
	v55 =	vadd.s32 v18, v50  }
0x1a3: {  	v61 =	vld.idx.msk [tilespmem:v57+s12+$0x0], $0xffff;
	v51 =	vadd.f32 v52, v51;
	v52 =	vmul.f32 v56, v62  }
0x1a4: {  	v56 =	vld.idx.msk [tilespmem:v57+s13+$0x0], $0xffff;
	v57 =	vadd.s32 v19, v50  }
0x1a5: {  	v62 =	vld.idx.msk [tilespmem:v58+s12+$0x0], $0xffff;
	v63 =	vmul.f32 v54, v59;
	v51 =	vadd.f32 v52, v51  }
0x1a6: {  	v54 =	vld.idx.msk [tilespmem:v58+s13+$0x0], $0xffff;
	v58 =	vadd.s32 v20, v50  }
0x1a7: {  	v59 =	vld.idx.msk [tilespmem:v55+s12+$0x0], $0xffff;
	v52 =	vmul.f32 v53, v60;
	v51 =	vadd.f32 v63, v51  }
0x1a8: {  	v53 =	vld.idx.msk [tilespmem:v55+s13+$0x0], $0xffff;
	v55 =	vadd.s32 v21, v50  }
0x1a9: {  	v60 =	vld.idx.msk [tilespmem:v57+s12+$0x0], $0xffff;
	v51 =	vadd.f32 v52, v51;
	v52 =	vmul.f32 v56, v61  }
0x1aa: {  	v56 =	vld.idx.msk [tilespmem:v57+s13+$0x0], $0xffff;
	v57 =	vadd.s32 v22, v50  }
0x1ab: {  	v61 =	vld.idx.msk [tilespmem:v58+s12+$0x0], $0xffff;
	v51 =	vadd.f32 v52, v51;
	v52 =	vmul.f32 v54, v62  }
0x1ac: {  	v54 =	vld.idx.msk [tilespmem:v58+s13+$0x0], $0xffff;
	v58 =	vadd.s32 v23, v50  }
0x1ad: {  	v62 =	vld.idx.msk [tilespmem:v55+s12+$0x0], $0xffff;
	v63 =	vmul.f32 v53, v59;
	v51 =	vadd.f32 v52, v51  }
0x1ae: {  	v53 =	vld.idx.msk [tilespmem:v55+s13+$0x0], $0xffff;
	v55 =	vadd.s32 v24, v50  }
0x1af: {  	v59 =	vld.idx.msk [tilespmem:v57+s12+$0x0], $0xffff;
	v52 =	vmul.f32 v56, v60;
	v51 =	vadd.f32 v63, v51  }
0x1b0: {  	v56 =	vld.idx.msk [tilespmem:v57+s13+$0x0], $0xffff;
	v57 =	vadd.s32 v25, v50  }
0x1b1: {  	v60 =	vld.idx.msk [tilespmem:v58+s12+$0x0], $0xffff;
	v51 =	vadd.f32 v52, v51;
	v52 =	vmul.f32 v54, v61  }
0x1b2: {  	v54 =	vld.idx.msk [tilespmem:v58+s13+$0x0], $0xffff;
	v58 =	vadd.s32 v26, v50  }
0x1b3: {  	v61 =	vld.idx.msk [tilespmem:v55+s12+$0x0], $0xffff;
	v51 =	vadd.f32 v52, v51;
	v52 =	vmul.f32 v53, v62  }
0x1b4: {  	v53 =	vld.idx.msk [tilespmem:v55+s13+$0x0], $0xffff;
	v55 =	vadd.s32 v27, v50  }
0x1b5: {  	v62 =	vld.idx.msk [tilespmem:v57+s12+$0x0], $0xffff;
	v63 =	vmul.f32 v56, v59;
	v51 =	vadd.f32 v52, v51  }
0x1b6: {  	v56 =	vld.idx.msk [tilespmem:v57+s13+$0x0], $0xffff;
	v57 =	vadd.s32 v28, v50  }
0x1b7: {  	v59 =	vld.idx.msk [tilespmem:v58+s12+$0x0], $0xffff;
	v52 =	vmul.f32 v54, v60;
	v51 =	vadd.f32 v63, v51  }
0x1b8: {  	v54 =	vld.idx.msk [tilespmem:v58+s13+$0x0], $0xffff;
	v58 =	vadd.s32 v29, v50  }
0x1b9: {  	v60 =	vld.idx.msk [tilespmem:v55+s12+$0x0], $0xffff;
	v51 =	vadd.f32 v52, v51;
	v52 =	vmul.f32 v53, v61  }
0x1ba: {  	v53 =	vld.idx.msk [tilespmem:v55+s13+$0x0], $0xffff;
	v55 =	vadd.s32 v30, v50  }
0x1bb: {  	v61 =	vld.idx.msk [tilespmem:v57+s12+$0x0], $0xffff;
	v51 =	vadd.f32 v52, v51;
	v52 =	vmul.f32 v56, v62  }
0x1bc: {  	v56 =	vld.idx.msk [tilespmem:v57+s13+$0x0], $0xffff;
	v57 =	vadd.s32 v31, v50  }
0x1bd: {  	v62 =	vld.idx.msk [tilespmem:v58+s12+$0x0], $0xffff;
	v63 =	vmul.f32 v54, v59;
	v51 =	vadd.f32 v52, v51  }
0x1be: {  	v54 =	vld.idx.msk [tilespmem:v58+s13+$0x0], $0xffff;
	v58 =	vadd.s32 v32, v50  }
0x1bf: {  	v59 =	vld.idx.msk [tilespmem:v55+s12+$0x0], $0xffff;
	v52 =	vmul.f32 v53, v60;
	v51 =	vadd.f32 v63, v51  }
0x1c0: {  	v53 =	vld.idx.msk [tilespmem:v55+s13+$0x0], $0xffff;
	v55 =	vadd.s32 v33, v50  }
0x1c1: {  	v60 =	vld.idx.msk [tilespmem:v57+s12+$0x0], $0xffff;
	v51 =	vadd.f32 v52, v51;
	v52 =	vmul.f32 v56, v61  }
0x1c2: {  	v56 =	vld.idx.msk [tilespmem:v57+s13+$0x0], $0xffff;
	v57 =	vadd.s32 v34, v50  }
0x1c3: {  	v61 =	vld.idx.msk [tilespmem:v58+s12+$0x0], $0xffff;
	v51 =	vadd.f32 v52, v51;
	v52 =	vmul.f32 v54, v62  }
0x1c4: {  	v54 =	vld.idx.msk [tilespmem:v58+s13+$0x0], $0xffff;
	v58 =	vadd.s32 v35, v50  }
0x1c5: {  	v62 =	vld.idx.msk [tilespmem:v55+s12+$0x0], $0xffff;
	v63 =	vmul.f32 v53, v59;
	v51 =	vadd.f32 v52, v51  }
0x1c6: {  	v53 =	vld.idx.msk [tilespmem:v55+s13+$0x0], $0xffff;
	v55 =	vadd.s32 v36, v50  }
0x1c7: {  	v59 =	vld.idx.msk [tilespmem:v57+s12+$0x0], $0xffff;
	v52 =	vmul.f32 v56, v60;
	v51 =	vadd.f32 v63, v51  }
0x1c8: {  	v56 =	vld.idx.msk [tilespmem:v57+s13+$0x0], $0xffff;
	v57 =	vadd.s32 v37, v50  }
0x1c9: {  	v60 =	vld.idx.msk [tilespmem:v58+s12+$0x0], $0xffff;
	v51 =	vadd.f32 v52, v51;
	v52 =	vmul.f32 v54, v61  }
0x1ca: {  	v54 =	vld.idx.msk [tilespmem:v58+s13+$0x0], $0xffff;
	v58 =	vadd.s32 v38, v50  }
0x1cb: {  	v61 =	vld.idx.msk [tilespmem:v55+s12+$0x0], $0xffff;
	v51 =	vadd.f32 v52, v51;
	v52 =	vmul.f32 v53, v62  }
0x1cc: {  	v53 =	vld.idx.msk [tilespmem:v55+s13+$0x0], $0xffff;
	v55 =	vadd.s32 v39, v50  }
0x1cd: {  	v62 =	vld.idx.msk [tilespmem:v57+s12+$0x0], $0xffff;
	v63 =	vmul.f32 v56, v59;
	v51 =	vadd.f32 v52, v51  }
0x1ce: {  	v56 =	vld.idx.msk [tilespmem:v57+s13+$0x0], $0xffff;
	v57 =	vadd.s32 v40, v50  }
0x1cf: {  	v59 =	vld.idx.msk [tilespmem:v58+s12+$0x0], $0xffff;
	v52 =	vmul.f32 v54, v60;
	v51 =	vadd.f32 v63, v51  }
0x1d0: {  	v54 =	vld.idx.msk [tilespmem:v58+s13+$0x0], $0xffff;
	v58 =	vadd.s32 v41, v50  }
0x1d1: {  	v60 =	vld.idx.msk [tilespmem:v55+s12+$0x0], $0xffff;
	v51 =	vadd.f32 v52, v51;
	v52 =	vmul.f32 v53, v61  }
0x1d2: {  	v53 =	vld.idx.msk [tilespmem:v55+s13+$0x0], $0xffff;
	v55 =	vadd.s32 v42, v50  }
0x1d3: {  	v61 =	vld.idx.msk [tilespmem:v57+s12+$0x0], $0xffff;
	v51 =	vadd.f32 v52, v51;
	v52 =	vmul.f32 v56, v62  }
0x1d4: {  	v56 =	vld.idx.msk [tilespmem:v57+s13+$0x0], $0xffff;
	v57 =	vadd.s32 v43, v50  }
0x1d5: {  	v62 =	vld.idx.msk [tilespmem:v58+s12+$0x0], $0xffff;
	v63 =	vmul.f32 v54, v59;
	v51 =	vadd.f32 v52, v51  }
0x1d6: {  	v54 =	vld.idx.msk [tilespmem:v58+s13+$0x0], $0xffff;
	v58 =	vadd.s32 v44, v50  }
0x1d7: {  	v59 =	vld.idx.msk [tilespmem:v55+s12+$0x0], $0xffff;
	v52 =	vmul.f32 v53, v60;
	v51 =	vadd.f32 v63, v51  }
0x1d8: {  	v53 =	vld.idx.msk [tilespmem:v55+s13+$0x0], $0xffff;
	v55 =	vadd.s32 v45, v50  }
0x1d9: {  	v60 =	vld.idx.msk [tilespmem:v57+s12+$0x0], $0xffff;
	v51 =	vadd.f32 v52, v51;
	v52 =	vmul.f32 v56, v61  }
0x1da: {  	v56 =	vld.idx.msk [tilespmem:v57+s13+$0x0], $0xffff;
	v57 =	vadd.s32 v46, v50  }
0x1db: {  	v61 =	vld.idx.msk [tilespmem:v58+s12+$0x0], $0xffff;
	v51 =	vadd.f32 v52, v51;
	v52 =	vmul.f32 v54, v62  }
0x1dc: {  	v54 =	vld.idx.msk [tilespmem:v58+s13+$0x0], $0xffff;
	v58 =	vadd.s32 v47, v50  }
0x1dd: {  	v62 =	vld.idx.msk [tilespmem:v55+s12+$0x0], $0xffff;
	v51 =	vadd.f32 v52, v51;
	v52 =	vmul.f32 v53, v59  }
0x1de: {  	v63 =	vadd.s32 v48, v50;
	v53 =	vld.idx.msk [tilespmem:v55+s13+$0x0], $0xffff  }
0x1df: {  	v59 =	vld.idx.msk [tilespmem:v57+s12+$0x0], $0xffff;
	v60 =	vmul.f32 v56, v60;
	v51 =	vadd.f32 v52, v51  }
0x1e0: {  	v50 =	vadd.s32 v49, v50;
	v56 =	vld.idx.msk [tilespmem:v57+s13+$0x0], $0xffff  }
0x1e1: {  	v57 =	vld.idx.msk [tilespmem:v58+s12+$0x0], $0xffff;
	v61 =	vmul.f32 v54, v61;
	v51 =	vadd.f32 v60, v51  }
0x1e2: {  	v54 =	vld.idx.msk [tilespmem:v58+s13+$0x0], $0xffff  }
0x1e3: {  	v58 =	vld.idx.msk [tilespmem:v63+s12+$0x0], $0xffff;
	v62 =	vmul.f32 v53, v62;
	v51 =	vadd.f32 v61, v51  }
0x1e4: {  	v63 =	vld.idx.msk [tilespmem:v63+s13+$0x0], $0xffff  }
0x1e5: {  	v60 =	vld.idx.msk [tilespmem:v50+s12+$0x0], $0xffff;
	v61 =	vmul.f32 v56, v59;
	v51 =	vadd.f32 v62, v51  }
0x1e6: {  	v50 =	vld.idx.msk [tilespmem:v50+s13+$0x0], $0xffff  }
0x1e7: {  	v62 =	vmul.f32 v54, v57;
	v51 =	vadd.f32 v61, v51;
	_ =	sdelay $0x1  }
0x1e8: {  	v63 =	vmul.f32 v63, v58;
	v51 =	vadd.f32 v62, v51;
	_ =	sdelay $0x1  }
0x1e9: {  	v50 =	vmul.f32 v50, v60;
	v51 =	vadd.f32 v63, v51;
	_ =	sdelay $0x1  }
0x1ea: {  	s28 =	sadd.s32 $0x1, s28;
	v50 =	vadd.f32 v50, v51  }
0x1eb: {  	p0 =	sne.s32 s28, s8;
	s29 =	sadd.s32 $0x10, s29  }
.Ltmp1:
0x1ec: {  	[tilespmem:s29+$0x0] =	vst v50;
	(pc) =	sbr.rel @p0 .LBB2_1-.Ltmp1, $4  }
0x1ed: {  	[hbm4b:s7+s1] =	stream.linear.scatter [tilespmem:s26], [sflag:$0x2], $0x200, $0x38;
	[tilespmem:$0xE600] =	vst v63  }
0x1ee: {  	_ =	swait.ge [sflag:s9], $0x200  }
0x1ef: {  	[sflag:s9] =	ssyncset.done $0x0  }
0x1f0: {  	[sflag:s9] =	ssyncadd.s32 $0xFFFFFE00  }
0x1f1: {  	_ =	sfence.sel $0x180000  }
0x1f2: {  	[bflag:$0x0] =	sbarrier.arrive $0xFFFF  }
0x1f3: {  	p0 =	sne.s32 s2, $0x0;
	_ =	strace $0x90000047  }
0x1f4: {  	s0 =	sadd.s32 @!p0 $0x100000, s0;
	[bflag:$0x2] =	sbarrier.arrive $0xFFFF  }
0x1f5: {  	[sflag:s0] =	ssyncadd.tile.s32 @!p0 $0x1;
	_ =	shalt  }
.Lfunc_end2:
_tile_overlayer_lowered:
.L_overlay_start_2:
0x1f6: {  	(tag) =	ssettag $0x2  }
0x1f7: {  	s0 =	rddreg [dreg:$0x0];
	s2 =	stileid.u32  }
0x1f8: {  	s1 =	rddreg [dreg:$0x1];
	p0 =	sne.s32 s2, $0x0  }
0x1f9: {  	s3 =	rddreg [dreg:$0x2];
	[bflag:$0x3] =	sbarrier.arrive $0xFFFF;
	s2 =	simm.s32 @!p0 $0x1C02  }
0x1fa: {  	[timem:s3], [sflag:s2] =	dma.local @!p0 [hbm:s0], s1  }
0x1fb: {  	s0 =	simm.s32 @!p0 $0x2  }
0x1fc: {  	_ =	swait.ge @!p0 [sflag:s0], s1  }
0x1fd: {  	s1 =	ssub.s32 @!p0 $0x0, s1;
	[sflag:s0] =	ssyncset.done @!p0 $0x0  }
0x1fe: {  	[sflag:s0] =	ssyncadd.s32 @!p0 s1  }
0x1ff: {  	[bflag:$0x3] =	sbarrier.arrive $0xFFFF  }
0x200: {  	_ =	shalt  }

</sc_bundles>
